<compile_context>
chip_gen: v7x
topology: tpu7x:2x2x1
jax: 0.10.2.dev20260603
libtpu: 0.0.44.dev20260713+nightly
codegen_flags: <defaults>
</compile_context>

<pallas_src>
import functools

import jax
import jax.numpy as jnp
from jax import lax
from jax.experimental import pallas as pl
from jax.experimental.pallas import tpu as pltpu
from jax.experimental.pallas import tpu_sc as plsc

V = 1000000
D = 64
H = 256
B = 16384
EPS = 1e-5

_BW = 512
_NBLK = 1953
_TAILCUT = _NBLK * _BW
_TAIL0 = V - 128


def _scalar(x):
    return x if x.ndim == 0 else x[0]


@functools.cache
def _make_sc_gather():
    info = plsc.get_sparse_core_info()
    nc, ns = info.num_cores, info.num_subcores
    nw = nc * ns
    blk_per_w = -(-_NBLK // nw)

    def body(tableT_hbm, ttail_hbm, idx_hbm, out_hbm,
             ids_v, myblk_v, mypacked_v, buf_v, strips_v,
             bsem, wsem, tsem):
        wid = lax.axis_index("s") * nc + lax.axis_index("c")
        lo = wid * blk_per_w
        hi = jnp.minimum(lo + blk_per_w, _NBLK)
        nb = hi - lo
        iota = lax.broadcasted_iota(jnp.int32, (16,), 0)
        pltpu.sync_copy(idx_hbm, ids_v)

        def scan(g, cnt):
            v = ids_v[pl.ds(g * 16, 16)]
            cb = v >> 9
            m = (cb >= lo) & (cb < hi) & (v < _TAILCUT)
            c = plsc.cumsum(m.astype(jnp.int32))
            pos = cnt + c - 1
            packed = ((g * 16 + iota) << 9) | (v & (_BW - 1))
            plsc.store_scatter(myblk_v, [pos], cb, mask=m)
            plsc.store_scatter(mypacked_v, [pos], packed, mask=m)
            return cnt + c[15]

        cnt = lax.fori_loop(0, B // 16, scan, jnp.int32(0))
        plsc.store_scatter(myblk_v, [cnt + iota],
                           jnp.broadcast_to(jnp.int32(-1), (16,)))
        ngrp = (cnt + 15) >> 4

        def issue_blk(k, slot):
            off = pl.multiple_of((lo + k) * _BW, _BW)
            pltpu.async_copy(tableT_hbm.at[:, pl.ds(off, _BW)],
                             buf_v.at[slot], bsem.at[slot])

        issue_blk(0, 0)

        def extract_one(g2, sel, wc, cb, slot):
            l0 = plsc.all_reduce_ffs(sel)
            l0v = jnp.broadcast_to(_scalar(l0), (16,))
            gidx = g2 * 16 + l0v
            packedv = plsc.load_gather(mypacked_v, [gidx])
            lane = packedv & (_BW - 1)
            posv = packedv >> 9

            @pl.when(wc >= 16)
            def _():
                pltpu.make_async_copy(out_hbm.at[pl.ds(0, 1)],
                                      strips_v.at[pl.ds(0, 1)], wsem).wait()

            s = lax.rem(wc, jnp.int32(16))
            slotv = jnp.broadcast_to(slot, (16,))
            for q in range(4):
                col = plsc.load_gather(
                    buf_v, [slotv, iota + q * 16, lane])
                strips_v[s, pl.ds(q * 16, 16)] = col
            pltpu.async_copy(strips_v.at[pl.ds(s, 1)],
                             out_hbm.at[pl.ds(_scalar(posv), 1)], wsem)
            return sel & (iota != l0v), wc + 1

        def blk_loop(k, wcount):
            slot = lax.rem(k, jnp.int32(2))

            @pl.when(k + 1 < nb)
            def _():
                issue_blk(k + 1, lax.rem(k + 1, jnp.int32(2)))

            pltpu.make_async_copy(tableT_hbm.at[:, pl.ds(0, _BW)],
                                  buf_v.at[slot], bsem.at[slot]).wait()
            cb = lo + k

            def grp(g2, wc):
                sel0 = myblk_v[pl.ds(g2 * 16, 16)] == cb
                rem0 = _scalar(plsc.all_reduce_population_count(sel0))

                def cond(st):
                    return st[2] > 0

                def step(st):
                    sel2, wc3 = extract_one(g2, st[0], st[1], cb, slot)
                    return sel2, wc3, st[2] - 1

                _, wc2, _ = lax.while_loop(cond, step, (sel0, wc, rem0))
                return wc2

            return lax.fori_loop(0, ngrp, grp, wcount)

        wcount = lax.fori_loop(0, nb, blk_loop, jnp.int32(0))

        def drain(_, carry):
            pltpu.make_async_copy(out_hbm.at[pl.ds(0, 1)],
                                  strips_v.at[pl.ds(0, 1)], wsem).wait()
            return carry

        lax.fori_loop(0, jnp.minimum(wcount, 16), drain, 0)

        @pl.when(wid == 0)
        def _():
            def tscan(g, carry):
                v = ids_v[pl.ds(g * 16, 16)]
                sel_init = v >= _TAILCUT
                trem = _scalar(plsc.all_reduce_population_count(sel_init))

                def cond(st):
                    return st[1] > 0

                def step(st):
                    sel, c2 = st
                    l0 = plsc.all_reduce_ffs(sel)
                    l0v = jnp.broadcast_to(_scalar(l0), (16,))
                    idv = v.at[l0v].get(mode="promise_in_bounds")
                    row = _scalar(idv) - _TAIL0
                    pos = g * 16 + _scalar(l0)
                    pltpu.async_copy(ttail_hbm.at[pl.ds(row, 1)],
                                     strips_v.at[pl.ds(0, 1)], tsem)
                    pltpu.make_async_copy(
                        ttail_hbm.at[pl.ds(0, 1)],
                        strips_v.at[pl.ds(0, 1)], tsem).wait()
                    pltpu.async_copy(strips_v.at[pl.ds(0, 1)],
                                     out_hbm.at[pl.ds(pos, 1)], tsem)
                    pltpu.make_async_copy(
                        ttail_hbm.at[pl.ds(0, 1)],
                        strips_v.at[pl.ds(0, 1)], tsem).wait()
                    return sel & (iota != l0v), c2 - 1

                lax.while_loop(cond, step, (sel_init, trem))
                return carry

            lax.fori_loop(0, B // 16, tscan, 0)

    return pl.kernel(
        body,
        out_type=jax.ShapeDtypeStruct((B, D), jnp.float32),
        mesh=plsc.VectorSubcoreMesh(core_axis_name="c", subcore_axis_name="s"),
        scratch_types=[
            pltpu.VMEM((B,), jnp.int32),
            pltpu.VMEM((B + 16,), jnp.int32),
            pltpu.VMEM((B,), jnp.int32),
            pltpu.VMEM((2, D, _BW), jnp.float32),
            pltpu.VMEM((16, D), jnp.float32),
            pltpu.SemaphoreType.DMA((2,)),
            pltpu.SemaphoreType.DMA,
            pltpu.SemaphoreType.DMA,
        ],
        compiler_params=pltpu.CompilerParams(needs_layout_passes=False),
    )


_BLK = 2048
_NB = B // _BLK


def _h_block(emb_blk, w1, b1):
    return jnp.maximum(
        jnp.dot(emb_blk, w1, preferred_element_type=jnp.float32) + b1, 0.0)


def _fused_body(emb_ref, w1_ref, b1_ref, gamma_ref, beta_ref,
                w2_ref, b2_ref, out_ref, acc_ref):
    p = pl.program_id(0)
    i = pl.program_id(1)
    h = _h_block(emb_ref[...], w1_ref[...], b1_ref[...])

    @pl.when((p == 0) & (i == 0))
    def _():
        acc_ref[...] = jnp.zeros_like(acc_ref)

    @pl.when(p == 0)
    def _():
        acc_ref[0:1, :] += jnp.sum(h, axis=0, keepdims=True)
        acc_ref[1:2, :] += jnp.sum(h * h, axis=0, keepdims=True)

    @pl.when(p == 1)
    def _():
        mean = acc_ref[0:1, :] * (1.0 / B)
        var = acc_ref[1:2, :] * (1.0 / B) - mean * mean
        scale = gamma_ref[...] * lax.rsqrt(var + EPS)
        w2 = w2_ref[...]
        w2p = w2 * scale.reshape(H, 1)
        bias = jnp.dot(beta_ref[...] - mean * scale, w2,
                       preferred_element_type=jnp.float32) + b2_ref[...]
        out_ref[...] = jnp.maximum(
            jnp.dot(h, w2p, preferred_element_type=jnp.float32) + bias, 0.0)


def _mlp(emb, W1, b1, gamma, beta, W2, b2):
    const = lambda p, i: (0, 0)
    return pl.pallas_call(
        _fused_body,
        grid=(2, _NB),
        in_specs=[
            pl.BlockSpec((_BLK, D), lambda p, i: (i, 0)),
            pl.BlockSpec((D, H), const),
            pl.BlockSpec((1, H), const),
            pl.BlockSpec((1, H), const),
            pl.BlockSpec((1, H), const),
            pl.BlockSpec((H, H), const),
            pl.BlockSpec((1, H), const),
        ],
        out_specs=pl.BlockSpec((_BLK, H), lambda p, i: (i * p, 0)),
        out_shape=jax.ShapeDtypeStruct((B, H), jnp.float32),
        scratch_shapes=[pltpu.VMEM((2, H), jnp.float32)],
        compiler_params=pltpu.CompilerParams(
            dimension_semantics=("arbitrary", "arbitrary")),
    )(emb, W1, b1.reshape(1, H), gamma.reshape(1, H), beta.reshape(1, H),
      W2, b2.reshape(1, H))


def kernel(target_ids, table, W1, b1, gamma, beta, W2, b2):
    tableT = table.T
    ttail = lax.slice(table, (_TAIL0, 0), (V, D))
    emb = _make_sc_gather()(tableT, ttail, target_ids.astype(jnp.int32))
    return _mlp(emb, W1, b1, gamma, beta, W2, b2)

# --- scband reference (transcript-rebuilt; emitter-appended) ---
"""Pipeline reference for scband-simple-protein-encoder-48850958025012 (READ-ONLY COPY).

The authoritative reference and input builder live on the scoring server;
editing this copy changes nothing except your own understanding.
"""

import jax, jax.numpy as jnp
import numpy as np

V = 1000000
D = 64
H = 256
B = 16384
EPS = 1e-5

def setup_inputs(seed: int = 0) -> dict:
    key = jax.random.key(seed)
    ks = jax.random.split(key, 8)
    return {
        "target_ids": jax.random.randint(ks[0], (B,), 0, V),
        "table": jax.random.normal(ks[1], (V, D), dtype=jnp.float32),
        "W1": jax.random.normal(ks[2], (D, H), dtype=jnp.float32) * 0.05,
        "b1": jnp.zeros((H,), dtype=jnp.float32),
        "gamma": jnp.ones((H,), dtype=jnp.float32),
        "beta": jnp.zeros((H,), dtype=jnp.float32),
        "W2": jax.random.normal(ks[3], (H, H), dtype=jnp.float32) * 0.05,
        "b2": jnp.zeros((H,), dtype=jnp.float32),
    }

def reference(target_ids, table, W1, b1, gamma, beta, W2, b2):
    # embedding lookup (gather)
    emb = jnp.take(table, target_ids, axis=0)
    # Linear(D, 256) + ReLU
    h = jax.nn.relu(emb @ W1 + b1)
    # BatchNorm1d(256) in training mode: batch statistics (biased variance)
    mean = jnp.mean(h, axis=0)
    var = jnp.var(h, axis=0)
    hn = (h - mean) / jnp.sqrt(var + EPS) * gamma + beta
    # Dropout(0.2) treated as identity (eval / deterministic reference)
    # Linear(256, 256) + ReLU
    out = jax.nn.relu(hn @ W2 + b2)
    return out

if __name__ == "__main__":
    import jax
    _d = setup_inputs()
    print(jax.jit(kernel)(*tuple(_d.values())))

</pallas_src>

<mosaic_0001>
#map = affine_map<(d0, d1) -> (0, 0)>
#map1 = affine_map<(d0, d1) -> (0)>
module attributes {stable_mosaic.version = 14 : i64} {
  func.func @body(%arg0: i32, %arg1: i32, %arg2: memref<64x1000000xf32, #tpu.memory_space<hbm>>, %arg3: memref<128x64xf32, #tpu.memory_space<hbm>>, %arg4: memref<16384xi32, #tpu.memory_space<hbm>>, %arg5: memref<16384x64xf32, #tpu.memory_space<hbm>>, %arg6: memref<16384xi32, #tpu.memory_space<vmem>>, %arg7: memref<16400xi32, #tpu.memory_space<vmem>>, %arg8: memref<16384xi32, #tpu.memory_space<vmem>>, %arg9: memref<2x64x512xf32, #tpu.memory_space<vmem>>, %arg10: memref<16x64xf32, #tpu.memory_space<vmem>>, %arg11: memref<2x!tpu.dma_semaphore, #tpu.memory_space<semaphore_mem>>, %arg12: memref<!tpu.dma_semaphore, #tpu.memory_space<semaphore_mem>>, %arg13: memref<!tpu.dma_semaphore, #tpu.memory_space<semaphore_mem>>) attributes {dimension_semantics = [#tpu.dimension_semantics<core_parallel>, #tpu.dimension_semantics<subcore_parallel>], iteration_bounds = array<i64: 2, 16>, scalar_prefetch = 0 : i64, scratch_operands = 8 : i64, tpu.core_type = #tpu.core_type<sc_vector_subcore>, window_params = [{transform_indices = #map}, {transform_indices = #map}, {transform_indices = #map1}, {transform_indices = #map}]} {
    %mul3A = arith.constant 2 : i32
    %mul3A_0 = arith.muli %arg1, %mul3A : i32
    %add3A = arith.addi %mul3A_0, %arg0 : i32
    %mul3A_1 = arith.constant 62 : i32
    %mul3A_2 = arith.muli %add3A, %mul3A_1 : i32
    %add3A_3 = arith.constant 62 : i32
    %add3A_4 = arith.addi %mul3A_2, %add3A_3 : i32
    %min3A = arith.constant 1953 : i32
    %min3A_5 = arith.minsi %add3A_4, %min3A : i32
    %sub3A = arith.subi %min3A_5, %mul3A_2 : i32
    %iota3A = tpu.iota {dimensions = array<i32: 0>} : vector<16xi32>
    "tpu.region"() ({
      %run_scoped3A = tpu.sem_alloc : memref<!tpu.dma_semaphore, #tpu.memory_space<semaphore_mem>>
      tpu.enqueue_dma source(%arg4 : memref<16384xi32, #tpu.memory_space<hbm>>) target(%arg6 : memref<16384xi32, #tpu.memory_space<vmem>>) target_semaphore(%run_scoped3A : memref<!tpu.dma_semaphore, #tpu.memory_space<semaphore_mem>>)
      tpu.wait_dma2 semaphore(%run_scoped3A : memref<!tpu.dma_semaphore, #tpu.memory_space<semaphore_mem>>) src(%arg4 : memref<16384xi32, #tpu.memory_space<hbm>>) dst(%arg6 : memref<16384xi32, #tpu.memory_space<vmem>>)
      tpu.yield
    }) : () -> ()
    %scan3A = arith.constant 0 : i32
    %scan3A_6 = arith.constant 0 : i32
    %scan3A_7 = arith.constant 1024 : i32
    %scan3A_8 = arith.addi %scan3A_6, %scan3A_7 : i32
    %scan3A_9 = arith.constant 1 : i32
    %scan3A_10 = scf.for %scan3A_62 = %scan3A_6 to %scan3A_8 step %scan3A_9 iter_args(%scan3A_63 = %scan3A) -> (i32)  : i32 {
      %mul3A_64 = arith.constant 16 : i32
      %mul3A_65 = arith.muli %scan3A_62, %mul3A_64 : i32
      %get3A = arith.index_cast %mul3A_65 : i32 to index
      %get3A_66 = tpu.vector_load %arg6[%get3A] {strides = array<i32>} : memref<16384xi32, #tpu.memory_space<vmem>>, vector<16xi32>,
      %shift_right_arithmetic3A_67 = arith.constant 9 : i32
      %shift_right_arithmetic3A_68 = vector.broadcast %shift_right_arithmetic3A_67 : i32 to vector<16xi32>
      %shift_right_arithmetic3A_69 = arith.shrsi %get3A_66, %shift_right_arithmetic3A_68 : vector<16xi32>
      %ge3A = vector.broadcast %mul3A_2 : i32 to vector<16xi32>
      %ge3A_70 = arith.cmpi sge, %shift_right_arithmetic3A_69, %ge3A : vector<16xi32>
      %lt3A = vector.broadcast %min3A_5 : i32 to vector<16xi32>
      %lt3A_71 = arith.cmpi slt, %shift_right_arithmetic3A_69, %lt3A : vector<16xi32>
      %and3A = arith.andi %ge3A_70, %lt3A_71 : vector<16xi1>
      %lt3A_72 = arith.constant 999936 : i32
      %lt3A_73 = vector.broadcast %lt3A_72 : i32 to vector<16xi32>
      %lt3A_74 = arith.cmpi slt, %get3A_66, %lt3A_73 : vector<16xi32>
      %and3A_75 = arith.andi %and3A, %lt3A_74 : vector<16xi1>
      %convert_element_type3A_76 = arith.extui %and3A_75 : vector<16xi1> to vector<16xi32>
      %broadcast_in_dim3A_77 = arith.constant true
      %broadcast_in_dim3A_78 = vector.broadcast %broadcast_in_dim3A_77 : i1 to vector<16xi1>
      %masked_cumsum3A = tpu.scan <sum>, %convert_element_type3A_76 masked %broadcast_in_dim3A_78 : vector<16xi32>, vector<16xi1> -> vector<16xi32>
      %add3A_79 = vector.broadcast %scan3A_63 : i32 to vector<16xi32>
      %add3A_80 = arith.addi %add3A_79, %masked_cumsum3A : vector<16xi32>
      %sub3A_81 = arith.constant 1 : i32
      %sub3A_82 = vector.broadcast %sub3A_81 : i32 to vector<16xi32>
      %sub3A_83 = arith.subi %add3A_80, %sub3A_82 : vector<16xi32>
      %mul3A_84 = arith.constant 16 : i32
      %mul3A_85 = arith.muli %scan3A_62, %mul3A_84 : i32
      %add3A_86 = vector.broadcast %mul3A_85 : i32 to vector<16xi32>
      %add3A_87 = arith.addi %add3A_86, %iota3A : vector<16xi32>
      %shift_left3A = arith.constant 9 : i32
      %shift_left3A_88 = vector.broadcast %shift_left3A : i32 to vector<16xi32>
      %shift_left3A_89 = arith.shli %add3A_87, %shift_left3A_88 : vector<16xi32>
      %and3A_90 = arith.constant 511 : i32
      %and3A_91 = vector.broadcast %and3A_90 : i32 to vector<16xi32>
      %and3A_92 = arith.andi %get3A_66, %and3A_91 : vector<16xi32>
      %or3A = arith.ori %shift_left3A_89, %and3A_92 : vector<16xi32>
      tpu.vector_store_idx %arg7[%sub3A_83], %shift_right_arithmetic3A_69 masked %and3A_75 : memref<16400xi32, #tpu.memory_space<vmem>>[vector<16xi32>], vector<16xi32>, vector<16xi1>
      tpu.vector_store_idx %arg8[%sub3A_83], %or3A masked %and3A_75 : memref<16384xi32, #tpu.memory_space<vmem>>[vector<16xi32>], vector<16xi32>, vector<16xi1>
      %slice3A = vector.extract_strided_slice %masked_cumsum3A {offsets = [15], sizes = [1], strides = [1]} : vector<16xi32> to vector<1xi32>
      %squeeze3A = vector.extract %slice3A[0] : i32 from vector<1xi32>
      %add3A_93 = arith.addi %scan3A_63, %squeeze3A : i32
      scf.yield %add3A_93 : i32
    }
    %scan3A_11 = arith.constant 1024 : i32
    %add3A_12 = vector.broadcast %scan3A_10 : i32 to vector<16xi32>
    %add3A_13 = arith.addi %add3A_12, %iota3A : vector<16xi32>
    %broadcast_in_dim3A = arith.constant -1 : i32
    %broadcast_in_dim3A_14 = vector.broadcast %broadcast_in_dim3A : i32 to vector<16xi32>
    tpu.vector_store_idx %arg7[%add3A_13], %broadcast_in_dim3A_14 : memref<16400xi32, #tpu.memory_space<vmem>>[vector<16xi32>], vector<16xi32>,
    %add3A_15 = arith.constant 15 : i32
    %add3A_16 = arith.addi %scan3A_10, %add3A_15 : i32
    %shift_right_arithmetic3A = arith.constant 4 : i32
    %shift_right_arithmetic3A_17 = arith.shrsi %add3A_16, %shift_right_arithmetic3A : i32
    %add3A_18 = arith.constant 0 : i32
    %add3A_19 = arith.addi %mul3A_2, %add3A_18 : i32
    %mul3A_20 = arith.constant 512 : i32
    %mul3A_21 = arith.muli %add3A_19, %mul3A_20 : i32
    %multiple_of3A = tpu.assume_multiple %mul3A_21, 512 : i32
    %dma_start3A = arith.constant 0 : i32
    %dma_start3A_22 = arith.constant 0 : i32
    %dma_start3A_23 = arith.constant 0 : i32
    %dma_start3A_24 = arith.constant 0 : i32
    %dma_start3A_25 = tpu.memref_slice %arg9[%dma_start3A, %dma_start3A_23, %dma_start3A_24] : memref<2x64x512xf32, #tpu.memory_space<vmem>> -> memref<1x64x512xf32, #tpu.memory_space<vmem>>
    %dma_start3A_26 = tpu.memref_squeeze %dma_start3A_25 : memref<1x64x512xf32, #tpu.memory_space<vmem>> -> memref<64x512xf32, #tpu.memory_space<vmem>>
    %dma_start3A_27 = arith.constant 0 : i32
    %dma_start3A_28 = tpu.memref_slice %arg2[%dma_start3A_27, %multiple_of3A] : memref<64x1000000xf32, #tpu.memory_space<hbm>> -> memref<64x512xf32, #tpu.memory_space<hbm>>
    %dma_start3A_29 = tpu.memref_slice %arg11[%dma_start3A_22] : memref<2x!tpu.dma_semaphore, #tpu.memory_space<semaphore_mem>> -> memref<1x!tpu.dma_semaphore, #tpu.memory_space<semaphore_mem>>
    %dma_start3A_30 = tpu.memref_squeeze %dma_start3A_29 : memref<1x!tpu.dma_semaphore, #tpu.memory_space<semaphore_mem>> -> memref<!tpu.dma_semaphore, #tpu.memory_space<semaphore_mem>>
    %dma_start3A_31 = arith.constant 0 : i32
    %dma_start3A_32 = arith.constant 0 : i32
    %dma_start3A_33 = tpu.memref_slice %arg9[%dma_start3A, %dma_start3A_31, %dma_start3A_32] : memref<2x64x512xf32, #tpu.memory_space<vmem>> -> memref<1x64x512xf32, #tpu.memory_space<vmem>>
    %dma_start3A_34 = tpu.memref_squeeze %dma_start3A_33 : memref<1x64x512xf32, #tpu.memory_space<vmem>> -> memref<64x512xf32, #tpu.memory_space<vmem>>
    %dma_start3A_35 = arith.constant 0 : i32
    %dma_start3A_36 = tpu.memref_slice %arg2[%dma_start3A_35, %multiple_of3A] : memref<64x1000000xf32, #tpu.memory_space<hbm>> -> memref<64x512xf32, #tpu.memory_space<hbm>>
    tpu.enqueue_dma source(%dma_start3A_36 : memref<64x512xf32, #tpu.memory_space<hbm>>) target(%dma_start3A_34 : memref<64x512xf32, #tpu.memory_space<vmem>>) target_semaphore(%dma_start3A_30 : memref<!tpu.dma_semaphore, #tpu.memory_space<semaphore_mem>>)
    %while3A = arith.constant 0 : i32
    %while3A_37 = arith.constant 0 : i32
    %while3A_38 = arith.subi %sub3A, %while3A : i32
    %while3A_39 = arith.addi %while3A, %while3A_38 : i32
    %while3A_40 = arith.constant 1 : i32
    %while3A_41 = arith.divsi %while3A_38, %while3A_40 : i32
    %while3A_42 = arith.muli %while3A_41, %while3A_40 : i32
    %while3A_43 = arith.addi %while3A, %while3A_42 : i32
    %while3A_44 = arith.constant 1 : i32
    %while3A_45 = scf.for %while3A_62 = %while3A to %while3A_43 step %while3A_44 iter_args(%while3A_63 = %while3A_37) -> (i32)  : i32 {
      %rem3A = arith.constant 2 : i32
      %rem3A_64 = arith.remsi %while3A_62, %rem3A : i32
      %add3A_65 = arith.constant 1 : i32
      %add3A_66 = arith.addi %while3A_62, %add3A_65 : i32
      %lt3A = arith.cmpi slt, %add3A_66, %sub3A : i32
      %convert_element_type3A_67 = arith.extui %lt3A : i1 to i32
      %cond3A_68 = arith.constant 0 : i32
      %cond3A_69 = arith.cmpi ne, %convert_element_type3A_67, %cond3A_68 : i32
      scf.if %cond3A_69 {
        %add3A_97 = arith.constant 1 : i32
        %add3A_98 = arith.addi %while3A_62, %add3A_97 : i32
        %add3A_99 = arith.constant 1 : i32
        %add3A_100 = arith.addi %while3A_62, %add3A_99 : i32
        %rem3A_101 = arith.constant 2 : i32
        %rem3A_102 = arith.remsi %add3A_100, %rem3A_101 : i32
        %add3A_103 = arith.addi %mul3A_2, %add3A_98 : i32
        %mul3A_104 = arith.constant 512 : i32
        %mul3A_105 = arith.muli %add3A_103, %mul3A_104 : i32
        %multiple_of3A_106 = tpu.assume_multiple %mul3A_105, 512 : i32
        %dma_start3A_107 = arith.constant 0 : i32
        %dma_start3A_108 = arith.constant 0 : i32
        %dma_start3A_109 = tpu.memref_slice %arg9[%rem3A_102, %dma_start3A_107, %dma_start3A_108] : memref<2x64x512xf32, #tpu.memory_space<vmem>> -> memref<1x64x512xf32, #tpu.memory_space<vmem>>
        %dma_start3A_110 = tpu.memref_squeeze %dma_start3A_109 : memref<1x64x512xf32, #tpu.memory_space<vmem>> -> memref<64x512xf32, #tpu.memory_space<vmem>>
        %dma_start3A_111 = arith.constant 0 : i32
        %dma_start3A_112 = tpu.memref_slice %arg2[%dma_start3A_111, %multiple_of3A_106] : memref<64x1000000xf32, #tpu.memory_space<hbm>> -> memref<64x512xf32, #tpu.memory_space<hbm>>
        %dma_start3A_113 = tpu.memref_slice %arg11[%rem3A_102] : memref<2x!tpu.dma_semaphore, #tpu.memory_space<semaphore_mem>> -> memref<1x!tpu.dma_semaphore, #tpu.memory_space<semaphore_mem>>
        %dma_start3A_114 = tpu.memref_squeeze %dma_start3A_113 : memref<1x!tpu.dma_semaphore, #tpu.memory_space<semaphore_mem>> -> memref<!tpu.dma_semaphore, #tpu.memory_space<semaphore_mem>>
        %dma_start3A_115 = arith.constant 0 : i32
        %dma_start3A_116 = arith.constant 0 : i32
        %dma_start3A_117 = tpu.memref_slice %arg9[%rem3A_102, %dma_start3A_115, %dma_start3A_116] : memref<2x64x512xf32, #tpu.memory_space<vmem>> -> memref<1x64x512xf32, #tpu.memory_space<vmem>>
        %dma_start3A_118 = tpu.memref_squeeze %dma_start3A_117 : memref<1x64x512xf32, #tpu.memory_space<vmem>> -> memref<64x512xf32, #tpu.memory_space<vmem>>
        %dma_start3A_119 = arith.constant 0 : i32
        %dma_start3A_120 = tpu.memref_slice %arg2[%dma_start3A_119, %multiple_of3A_106] : memref<64x1000000xf32, #tpu.memory_space<hbm>> -> memref<64x512xf32, #tpu.memory_space<hbm>>
        tpu.enqueue_dma source(%dma_start3A_120 : memref<64x512xf32, #tpu.memory_space<hbm>>) target(%dma_start3A_118 : memref<64x512xf32, #tpu.memory_space<vmem>>) target_semaphore(%dma_start3A_114 : memref<!tpu.dma_semaphore, #tpu.memory_space<semaphore_mem>>)
      } else {
      }
      %dma_wait3A = arith.constant 0 : i32
      %dma_wait3A_70 = arith.constant 0 : i32
      %dma_wait3A_71 = tpu.memref_slice %arg9[%rem3A_64, %dma_wait3A, %dma_wait3A_70] : memref<2x64x512xf32, #tpu.memory_space<vmem>> -> memref<1x64x512xf32, #tpu.memory_space<vmem>>
      %dma_wait3A_72 = tpu.memref_squeeze %dma_wait3A_71 : memref<1x64x512xf32, #tpu.memory_space<vmem>> -> memref<64x512xf32, #tpu.memory_space<vmem>>
      %dma_wait3A_73 = arith.constant 0 : i32
      %dma_wait3A_74 = arith.constant 0 : i32
      %dma_wait3A_75 = tpu.memref_slice %arg2[%dma_wait3A_73, %dma_wait3A_74] : memref<64x1000000xf32, #tpu.memory_space<hbm>> -> memref<64x512xf32, #tpu.memory_space<hbm>>
      %dma_wait3A_76 = tpu.memref_slice %arg11[%rem3A_64] : memref<2x!tpu.dma_semaphore, #tpu.memory_space<semaphore_mem>> -> memref<1x!tpu.dma_semaphore, #tpu.memory_space<semaphore_mem>>
      %dma_wait3A_77 = tpu.memref_squeeze %dma_wait3A_76 : memref<1x!tpu.dma_semaphore, #tpu.memory_space<semaphore_mem>> -> memref<!tpu.dma_semaphore, #tpu.memory_space<semaphore_mem>>
      %dma_wait3A_78 = arith.constant 0 : i32
      %dma_wait3A_79 = arith.constant 0 : i32
      %dma_wait3A_80 = tpu.memref_slice %arg9[%rem3A_64, %dma_wait3A_78, %dma_wait3A_79] : memref<2x64x512xf32, #tpu.memory_space<vmem>> -> memref<1x64x512xf32, #tpu.memory_space<vmem>>
      %dma_wait3A_81 = tpu.memref_squeeze %dma_wait3A_80 : memref<1x64x512xf32, #tpu.memory_space<vmem>> -> memref<64x512xf32, #tpu.memory_space<vmem>>
      %dma_wait3A_82 = arith.constant 0 : i32
      %dma_wait3A_83 = arith.constant 0 : i32
      %dma_wait3A_84 = tpu.memref_slice %arg2[%dma_wait3A_82, %dma_wait3A_83] : memref<64x1000000xf32, #tpu.memory_space<hbm>> -> memref<64x512xf32, #tpu.memory_space<hbm>>
      tpu.wait_dma2 semaphore(%dma_wait3A_77 : memref<!tpu.dma_semaphore, #tpu.memory_space<semaphore_mem>>) src(%dma_wait3A_84 : memref<64x512xf32, #tpu.memory_space<hbm>>) dst(%dma_wait3A_81 : memref<64x512xf32, #tpu.memory_space<vmem>>)
      %add3A_85 = arith.addi %mul3A_2, %while3A_62 : i32
      %while3A_86 = arith.constant 0 : i32
      %while3A_87 = arith.subi %shift_right_arithmetic3A_17, %while3A_86 : i32
      %while3A_88 = arith.addi %while3A_86, %while3A_87 : i32
      %while3A_89 = arith.constant 1 : i32
      %while3A_90 = arith.divsi %while3A_87, %while3A_89 : i32
      %while3A_91 = arith.muli %while3A_90, %while3A_89 : i32
      %while3A_92 = arith.addi %while3A_86, %while3A_91 : i32
      %while3A_93 = arith.constant 1 : i32
      %while3A_94 = scf.for %while3A_97 = %while3A_86 to %while3A_92 step %while3A_93 iter_args(%while3A_98 = %while3A_63) -> (i32)  : i32 {
        %mul3A_99 = arith.constant 16 : i32
        %mul3A_100 = arith.muli %while3A_97, %mul3A_99 : i32
        %get3A = arith.index_cast %mul3A_100 : i32 to index
        %get3A_101 = tpu.vector_load %arg7[%get3A] {strides = array<i32>} : memref<16400xi32, #tpu.memory_space<vmem>>, vector<16xi32>,
        %eq3A_102 = vector.broadcast %add3A_85 : i32 to vector<16xi32>
        %eq3A_103 = arith.cmpi eq, %get3A_101, %eq3A_102 : vector<16xi32>
        %all_reduce_population_count3A = tpu.all_reduce %eq3A_103 {dim = 0 : i64, kind = #tpu.reduction_kind<sum>} : vector<16xi1> -> vector<16xi32>
        %slice3A = vector.extract_strided_slice %all_reduce_population_count3A {offsets = [0], sizes = [1], strides = [1]} : vector<16xi32> to vector<1xi32>
        %squeeze3A = vector.extract %slice3A[0] : i32 from vector<1xi32>
        %while3A_104:3 = scf.while (%while3A_105 = %eq3A_103, %while3A_106 = %while3A_98, %while3A_107 = %squeeze3A) : (vector<16xi1>, i32, i32) -> (vector<16xi1>, i32, i32) {
          %gt3A = arith.constant 0 : i32
          %gt3A_108 = arith.cmpi sgt, %while3A_107, %gt3A : i32
          scf.condition(%gt3A_108) %while3A_105, %while3A_106, %while3A_107 : vector<16xi1>, i32, i32
        } do {
        ^bb0(%while3A_105: vector<16xi1>, %while3A_106: i32, %while3A_107: i32):
          %all_reduce_ffs3A = tpu.all_reduce %while3A_105 {dim = 0 : i64, kind = #tpu.reduction_kind<find_first_set>} : vector<16xi1> -> vector<16xi32>
          %slice3A_108 = vector.extract_strided_slice %all_reduce_ffs3A {offsets = [0], sizes = [1], strides = [1]} : vector<16xi32> to vector<1xi32>
          %squeeze3A_109 = vector.extract %slice3A_108[0] : i32 from vector<1xi32>
          %broadcast_in_dim3A_110 = vector.broadcast %squeeze3A_109 : i32 to vector<16xi32>
          %mul3A_111 = arith.constant 16 : i32
          %mul3A_112 = arith.muli %while3A_97, %mul3A_111 : i32
          %add3A_113 = vector.broadcast %mul3A_112 : i32 to vector<16xi32>
          %add3A_114 = arith.addi %add3A_113, %broadcast_in_dim3A_110 : vector<16xi32>
          %gather3A = tpu.vector_load_idx %arg8[%add3A_114] : memref<16384xi32, #tpu.memory_space<vmem>>[vector<16xi32>], vector<16xi32>,
          %and3A = arith.constant 511 : i32
          %and3A_115 = vector.broadcast %and3A : i32 to vector<16xi32>
          %and3A_116 = arith.andi %gather3A, %and3A_115 : vector<16xi32>
          %shift_right_arithmetic3A_117 = arith.constant 9 : i32
          %shift_right_arithmetic3A_118 = vector.broadcast %shift_right_arithmetic3A_117 : i32 to vector<16xi32>
          %shift_right_arithmetic3A_119 = arith.shrsi %gather3A, %shift_right_arithmetic3A_118 : vector<16xi32>
          %ge3A = arith.constant 16 : i32
          %ge3A_120 = arith.cmpi sge, %while3A_106, %ge3A : i32
          %convert_element_type3A_121 = arith.extui %ge3A_120 : i1 to i32
          %cond3A_122 = arith.constant 0 : i32
          %cond3A_123 = arith.cmpi ne, %convert_element_type3A_121, %cond3A_122 : i32
          scf.if %cond3A_123 {
            %dma_wait3A_169 = arith.constant 0 : i32
            %dma_wait3A_170 = arith.constant 0 : i32
            %dma_wait3A_171 = tpu.memref_slice %arg10[%dma_wait3A_169, %dma_wait3A_170] : memref<16x64xf32, #tpu.memory_space<vmem>> -> memref<1x64xf32, #tpu.memory_space<vmem>>
            %dma_wait3A_172 = arith.constant 0 : i32
            %dma_wait3A_173 = arith.constant 0 : i32
            %dma_wait3A_174 = tpu.memref_slice %arg5[%dma_wait3A_172, %dma_wait3A_173] : memref<16384x64xf32, #tpu.memory_space<hbm>> -> memref<1x64xf32, #tpu.memory_space<hbm>>
            %dma_wait3A_175 = arith.constant 0 : i32
            %dma_wait3A_176 = arith.constant 0 : i32
            %dma_wait3A_177 = tpu.memref_slice %arg10[%dma_wait3A_175, %dma_wait3A_176] : memref<16x64xf32, #tpu.memory_space<vmem>> -> memref<1x64xf32, #tpu.memory_space<vmem>>
            %dma_wait3A_178 = arith.constant 0 : i32
            %dma_wait3A_179 = arith.constant 0 : i32
            %dma_wait3A_180 = tpu.memref_slice %arg5[%dma_wait3A_178, %dma_wait3A_179] : memref<16384x64xf32, #tpu.memory_space<hbm>> -> memref<1x64xf32, #tpu.memory_space<hbm>>
            tpu.wait_dma2 semaphore(%arg12 : memref<!tpu.dma_semaphore, #tpu.memory_space<semaphore_mem>>) src(%dma_wait3A_180 : memref<1x64xf32, #tpu.memory_space<hbm>>) dst(%dma_wait3A_177 : memref<1x64xf32, #tpu.memory_space<vmem>>)
          } else {
          }
          %rem3A_124 = arith.constant 16 : i32
          %rem3A_125 = arith.remsi %while3A_106, %rem3A_124 : i32
          %broadcast_in_dim3A_126 = vector.broadcast %rem3A_64 : i32 to vector<16xi32>
          %add3A_127 = arith.constant 0 : i32
          %add3A_128 = vector.broadcast %add3A_127 : i32 to vector<16xi32>
          %add3A_129 = arith.addi %iota3A, %add3A_128 : vector<16xi32>
          %gather3A_130 = tpu.vector_load_idx %arg9[%broadcast_in_dim3A_126, %add3A_129, %and3A_116] : memref<2x64x512xf32, #tpu.memory_space<vmem>>[vector<16xi32>, vector<16xi32>, vector<16xi32>], vector<16xf32>,
          %swap3A = arith.index_cast %rem3A_125 : i32 to index
          %swap3A_131 = arith.constant 0 : index
          %swap3A_132 = tpu.vector_load %arg10[%swap3A, %swap3A_131] {strides = array<i32>} : memref<16x64xf32, #tpu.memory_space<vmem>>, vector<16xf32>,
          tpu.vector_store %arg10[%swap3A, %swap3A_131], %gather3A_130 {strides = array<i32>} : memref<16x64xf32, #tpu.memory_space<vmem>>, vector<16xf32>,
          %add3A_133 = arith.constant 16 : i32
          %add3A_134 = vector.broadcast %add3A_133 : i32 to vector<16xi32>
          %add3A_135 = arith.addi %iota3A, %add3A_134 : vector<16xi32>
          %gather3A_136 = tpu.vector_load_idx %arg9[%broadcast_in_dim3A_126, %add3A_135, %and3A_116] : memref<2x64x512xf32, #tpu.memory_space<vmem>>[vector<16xi32>, vector<16xi32>, vector<16xi32>], vector<16xf32>,
          %swap3A_137 = arith.index_cast %rem3A_125 : i32 to index
          %swap3A_138 = arith.constant 16 : index
          %swap3A_139 = tpu.vector_load %arg10[%swap3A_137, %swap3A_138] {strides = array<i32>} : memref<16x64xf32, #tpu.memory_space<vmem>>, vector<16xf32>,
          tpu.vector_store %arg10[%swap3A_137, %swap3A_138], %gather3A_136 {strides = array<i32>} : memref<16x64xf32, #tpu.memory_space<vmem>>, vector<16xf32>,
          %add3A_140 = arith.constant 32 : i32
          %add3A_141 = vector.broadcast %add3A_140 : i32 to vector<16xi32>
          %add3A_142 = arith.addi %iota3A, %add3A_141 : vector<16xi32>
          %gather3A_143 = tpu.vector_load_idx %arg9[%broadcast_in_dim3A_126, %add3A_142, %and3A_116] : memref<2x64x512xf32, #tpu.memory_space<vmem>>[vector<16xi32>, vector<16xi32>, vector<16xi32>], vector<16xf32>,
          %swap3A_144 = arith.index_cast %rem3A_125 : i32 to index
          %swap3A_145 = arith.constant 32 : index
          %swap3A_146 = tpu.vector_load %arg10[%swap3A_144, %swap3A_145] {strides = array<i32>} : memref<16x64xf32, #tpu.memory_space<vmem>>, vector<16xf32>,
          tpu.vector_store %arg10[%swap3A_144, %swap3A_145], %gather3A_143 {strides = array<i32>} : memref<16x64xf32, #tpu.memory_space<vmem>>, vector<16xf32>,
          %add3A_147 = arith.constant 48 : i32
          %add3A_148 = vector.broadcast %add3A_147 : i32 to vector<16xi32>
          %add3A_149 = arith.addi %iota3A, %add3A_148 : vector<16xi32>
          %gather3A_150 = tpu.vector_load_idx %arg9[%broadcast_in_dim3A_126, %add3A_149, %and3A_116] : memref<2x64x512xf32, #tpu.memory_space<vmem>>[vector<16xi32>, vector<16xi32>, vector<16xi32>], vector<16xf32>,
          %swap3A_151 = arith.index_cast %rem3A_125 : i32 to index
          %swap3A_152 = arith.constant 48 : index
          %swap3A_153 = tpu.vector_load %arg10[%swap3A_151, %swap3A_152] {strides = array<i32>} : memref<16x64xf32, #tpu.memory_space<vmem>>, vector<16xf32>,
          tpu.vector_store %arg10[%swap3A_151, %swap3A_152], %gather3A_150 {strides = array<i32>} : memref<16x64xf32, #tpu.memory_space<vmem>>, vector<16xf32>,
          %slice3A_154 = vector.extract_strided_slice %shift_right_arithmetic3A_119 {offsets = [0], sizes = [1], strides = [1]} : vector<16xi32> to vector<1xi32>
          %squeeze3A_155 = vector.extract %slice3A_154[0] : i32 from vector<1xi32>
          %dma_start3A_156 = arith.constant 0 : i32
          %dma_start3A_157 = tpu.memref_slice %arg10[%rem3A_125, %dma_start3A_156] : memref<16x64xf32, #tpu.memory_space<vmem>> -> memref<1x64xf32, #tpu.memory_space<vmem>>
          %dma_start3A_158 = arith.constant 0 : i32
          %dma_start3A_159 = tpu.memref_slice %arg5[%squeeze3A_155, %dma_start3A_158] : memref<16384x64xf32, #tpu.memory_space<hbm>> -> memref<1x64xf32, #tpu.memory_space<hbm>>
          %dma_start3A_160 = arith.constant 0 : i32
          %dma_start3A_161 = tpu.memref_slice %arg5[%squeeze3A_155, %dma_start3A_160] : memref<16384x64xf32, #tpu.memory_space<hbm>> -> memref<1x64xf32, #tpu.memory_space<hbm>>
          %dma_start3A_162 = arith.constant 0 : i32
          %dma_start3A_163 = tpu.memref_slice %arg10[%rem3A_125, %dma_start3A_162] : memref<16x64xf32, #tpu.memory_space<vmem>> -> memref<1x64xf32, #tpu.memory_space<vmem>>
          tpu.enqueue_dma source(%dma_start3A_163 : memref<1x64xf32, #tpu.memory_space<vmem>>) target(%dma_start3A_161 : memref<1x64xf32, #tpu.memory_space<hbm>>) target_semaphore(%arg12 : memref<!tpu.dma_semaphore, #tpu.memory_space<semaphore_mem>>)
          %ne3A = arith.cmpi ne, %iota3A, %broadcast_in_dim3A_110 : vector<16xi32>
          %and3A_164 = arith.andi %while3A_105, %ne3A : vector<16xi1>
          %add3A_165 = arith.constant 1 : i32
          %add3A_166 = arith.addi %while3A_106, %add3A_165 : i32
          %sub3A_167 = arith.constant 1 : i32
          %sub3A_168 = arith.subi %while3A_107, %sub3A_167 : i32
          scf.yield %and3A_164, %add3A_166, %sub3A_168 : vector<16xi1>, i32, i32
        }
        scf.yield %while3A_104#1 : i32
      }
      %while3A_95 = arith.constant 1 : i32
      %while3A_96 = scf.for %while3A_97 = %while3A_92 to %while3A_88 step %while3A_95 iter_args(%while3A_98 = %while3A_94) -> (i32)  : i32 {
        %mul3A_99 = arith.constant 16 : i32
        %mul3A_100 = arith.muli %while3A_97, %mul3A_99 : i32
        %get3A = arith.index_cast %mul3A_100 : i32 to index
        %get3A_101 = tpu.vector_load %arg7[%get3A] {strides = array<i32>} : memref<16400xi32, #tpu.memory_space<vmem>>, vector<16xi32>,
        %eq3A_102 = vector.broadcast %add3A_85 : i32 to vector<16xi32>
        %eq3A_103 = arith.cmpi eq, %get3A_101, %eq3A_102 : vector<16xi32>
        %all_reduce_population_count3A = tpu.all_reduce %eq3A_103 {dim = 0 : i64, kind = #tpu.reduction_kind<sum>} : vector<16xi1> -> vector<16xi32>
        %slice3A = vector.extract_strided_slice %all_reduce_population_count3A {offsets = [0], sizes = [1], strides = [1]} : vector<16xi32> to vector<1xi32>
        %squeeze3A = vector.extract %slice3A[0] : i32 from vector<1xi32>
        %while3A_104:3 = scf.while (%while3A_105 = %eq3A_103, %while3A_106 = %while3A_98, %while3A_107 = %squeeze3A) : (vector<16xi1>, i32, i32) -> (vector<16xi1>, i32, i32) {
          %gt3A = arith.constant 0 : i32
          %gt3A_108 = arith.cmpi sgt, %while3A_107, %gt3A : i32
          scf.condition(%gt3A_108) %while3A_105, %while3A_106, %while3A_107 : vector<16xi1>, i32, i32
        } do {
        ^bb0(%while3A_105: vector<16xi1>, %while3A_106: i32, %while3A_107: i32):
          %all_reduce_ffs3A = tpu.all_reduce %while3A_105 {dim = 0 : i64, kind = #tpu.reduction_kind<find_first_set>} : vector<16xi1> -> vector<16xi32>
          %slice3A_108 = vector.extract_strided_slice %all_reduce_ffs3A {offsets = [0], sizes = [1], strides = [1]} : vector<16xi32> to vector<1xi32>
          %squeeze3A_109 = vector.extract %slice3A_108[0] : i32 from vector<1xi32>
          %broadcast_in_dim3A_110 = vector.broadcast %squeeze3A_109 : i32 to vector<16xi32>
          %mul3A_111 = arith.constant 16 : i32
          %mul3A_112 = arith.muli %while3A_97, %mul3A_111 : i32
          %add3A_113 = vector.broadcast %mul3A_112 : i32 to vector<16xi32>
          %add3A_114 = arith.addi %add3A_113, %broadcast_in_dim3A_110 : vector<16xi32>
          %gather3A = tpu.vector_load_idx %arg8[%add3A_114] : memref<16384xi32, #tpu.memory_space<vmem>>[vector<16xi32>], vector<16xi32>,
          %and3A = arith.constant 511 : i32
          %and3A_115 = vector.broadcast %and3A : i32 to vector<16xi32>
          %and3A_116 = arith.andi %gather3A, %and3A_115 : vector<16xi32>
          %shift_right_arithmetic3A_117 = arith.constant 9 : i32
          %shift_right_arithmetic3A_118 = vector.broadcast %shift_right_arithmetic3A_117 : i32 to vector<16xi32>
          %shift_right_arithmetic3A_119 = arith.shrsi %gather3A, %shift_right_arithmetic3A_118 : vector<16xi32>
          %ge3A = arith.constant 16 : i32
          %ge3A_120 = arith.cmpi sge, %while3A_106, %ge3A : i32
          %convert_element_type3A_121 = arith.extui %ge3A_120 : i1 to i32
          %cond3A_122 = arith.constant 0 : i32
          %cond3A_123 = arith.cmpi ne, %convert_element_type3A_121, %cond3A_122 : i32
          scf.if %cond3A_123 {
            %dma_wait3A_169 = arith.constant 0 : i32
            %dma_wait3A_170 = arith.constant 0 : i32
            %dma_wait3A_171 = tpu.memref_slice %arg10[%dma_wait3A_169, %dma_wait3A_170] : memref<16x64xf32, #tpu.memory_space<vmem>> -> memref<1x64xf32, #tpu.memory_space<vmem>>
            %dma_wait3A_172 = arith.constant 0 : i32
            %dma_wait3A_173 = arith.constant 0 : i32
            %dma_wait3A_174 = tpu.memref_slice %arg5[%dma_wait3A_172, %dma_wait3A_173] : memref<16384x64xf32, #tpu.memory_space<hbm>> -> memref<1x64xf32, #tpu.memory_space<hbm>>
            %dma_wait3A_175 = arith.constant 0 : i32
            %dma_wait3A_176 = arith.constant 0 : i32
            %dma_wait3A_177 = tpu.memref_slice %arg10[%dma_wait3A_175, %dma_wait3A_176] : memref<16x64xf32, #tpu.memory_space<vmem>> -> memref<1x64xf32, #tpu.memory_space<vmem>>
            %dma_wait3A_178 = arith.constant 0 : i32
            %dma_wait3A_179 = arith.constant 0 : i32
            %dma_wait3A_180 = tpu.memref_slice %arg5[%dma_wait3A_178, %dma_wait3A_179] : memref<16384x64xf32, #tpu.memory_space<hbm>> -> memref<1x64xf32, #tpu.memory_space<hbm>>
            tpu.wait_dma2 semaphore(%arg12 : memref<!tpu.dma_semaphore, #tpu.memory_space<semaphore_mem>>) src(%dma_wait3A_180 : memref<1x64xf32, #tpu.memory_space<hbm>>) dst(%dma_wait3A_177 : memref<1x64xf32, #tpu.memory_space<vmem>>)
          } else {
          }
          %rem3A_124 = arith.constant 16 : i32
          %rem3A_125 = arith.remsi %while3A_106, %rem3A_124 : i32
          %broadcast_in_dim3A_126 = vector.broadcast %rem3A_64 : i32 to vector<16xi32>
          %add3A_127 = arith.constant 0 : i32
          %add3A_128 = vector.broadcast %add3A_127 : i32 to vector<16xi32>
          %add3A_129 = arith.addi %iota3A, %add3A_128 : vector<16xi32>
          %gather3A_130 = tpu.vector_load_idx %arg9[%broadcast_in_dim3A_126, %add3A_129, %and3A_116] : memref<2x64x512xf32, #tpu.memory_space<vmem>>[vector<16xi32>, vector<16xi32>, vector<16xi32>], vector<16xf32>,
          %swap3A = arith.index_cast %rem3A_125 : i32 to index
          %swap3A_131 = arith.constant 0 : index
          %swap3A_132 = tpu.vector_load %arg10[%swap3A, %swap3A_131] {strides = array<i32>} : memref<16x64xf32, #tpu.memory_space<vmem>>, vector<16xf32>,
          tpu.vector_store %arg10[%swap3A, %swap3A_131], %gather3A_130 {strides = array<i32>} : memref<16x64xf32, #tpu.memory_space<vmem>>, vector<16xf32>,
          %add3A_133 = arith.constant 16 : i32
          %add3A_134 = vector.broadcast %add3A_133 : i32 to vector<16xi32>
          %add3A_135 = arith.addi %iota3A, %add3A_134 : vector<16xi32>
          %gather3A_136 = tpu.vector_load_idx %arg9[%broadcast_in_dim3A_126, %add3A_135, %and3A_116] : memref<2x64x512xf32, #tpu.memory_space<vmem>>[vector<16xi32>, vector<16xi32>, vector<16xi32>], vector<16xf32>,
          %swap3A_137 = arith.index_cast %rem3A_125 : i32 to index
          %swap3A_138 = arith.constant 16 : index
          %swap3A_139 = tpu.vector_load %arg10[%swap3A_137, %swap3A_138] {strides = array<i32>} : memref<16x64xf32, #tpu.memory_space<vmem>>, vector<16xf32>,
          tpu.vector_store %arg10[%swap3A_137, %swap3A_138], %gather3A_136 {strides = array<i32>} : memref<16x64xf32, #tpu.memory_space<vmem>>, vector<16xf32>,
          %add3A_140 = arith.constant 32 : i32
          %add3A_141 = vector.broadcast %add3A_140 : i32 to vector<16xi32>
          %add3A_142 = arith.addi %iota3A, %add3A_141 : vector<16xi32>
          %gather3A_143 = tpu.vector_load_idx %arg9[%broadcast_in_dim3A_126, %add3A_142, %and3A_116] : memref<2x64x512xf32, #tpu.memory_space<vmem>>[vector<16xi32>, vector<16xi32>, vector<16xi32>], vector<16xf32>,
          %swap3A_144 = arith.index_cast %rem3A_125 : i32 to index
          %swap3A_145 = arith.constant 32 : index
          %swap3A_146 = tpu.vector_load %arg10[%swap3A_144, %swap3A_145] {strides = array<i32>} : memref<16x64xf32, #tpu.memory_space<vmem>>, vector<16xf32>,
          tpu.vector_store %arg10[%swap3A_144, %swap3A_145], %gather3A_143 {strides = array<i32>} : memref<16x64xf32, #tpu.memory_space<vmem>>, vector<16xf32>,
          %add3A_147 = arith.constant 48 : i32
          %add3A_148 = vector.broadcast %add3A_147 : i32 to vector<16xi32>
          %add3A_149 = arith.addi %iota3A, %add3A_148 : vector<16xi32>
          %gather3A_150 = tpu.vector_load_idx %arg9[%broadcast_in_dim3A_126, %add3A_149, %and3A_116] : memref<2x64x512xf32, #tpu.memory_space<vmem>>[vector<16xi32>, vector<16xi32>, vector<16xi32>], vector<16xf32>,
          %swap3A_151 = arith.index_cast %rem3A_125 : i32 to index
          %swap3A_152 = arith.constant 48 : index
          %swap3A_153 = tpu.vector_load %arg10[%swap3A_151, %swap3A_152] {strides = array<i32>} : memref<16x64xf32, #tpu.memory_space<vmem>>, vector<16xf32>,
          tpu.vector_store %arg10[%swap3A_151, %swap3A_152], %gather3A_150 {strides = array<i32>} : memref<16x64xf32, #tpu.memory_space<vmem>>, vector<16xf32>,
          %slice3A_154 = vector.extract_strided_slice %shift_right_arithmetic3A_119 {offsets = [0], sizes = [1], strides = [1]} : vector<16xi32> to vector<1xi32>
          %squeeze3A_155 = vector.extract %slice3A_154[0] : i32 from vector<1xi32>
          %dma_start3A_156 = arith.constant 0 : i32
          %dma_start3A_157 = tpu.memref_slice %arg10[%rem3A_125, %dma_start3A_156] : memref<16x64xf32, #tpu.memory_space<vmem>> -> memref<1x64xf32, #tpu.memory_space<vmem>>
          %dma_start3A_158 = arith.constant 0 : i32
          %dma_start3A_159 = tpu.memref_slice %arg5[%squeeze3A_155, %dma_start3A_158] : memref<16384x64xf32, #tpu.memory_space<hbm>> -> memref<1x64xf32, #tpu.memory_space<hbm>>
          %dma_start3A_160 = arith.constant 0 : i32
          %dma_start3A_161 = tpu.memref_slice %arg5[%squeeze3A_155, %dma_start3A_160] : memref<16384x64xf32, #tpu.memory_space<hbm>> -> memref<1x64xf32, #tpu.memory_space<hbm>>
          %dma_start3A_162 = arith.constant 0 : i32
          %dma_start3A_163 = tpu.memref_slice %arg10[%rem3A_125, %dma_start3A_162] : memref<16x64xf32, #tpu.memory_space<vmem>> -> memref<1x64xf32, #tpu.memory_space<vmem>>
          tpu.enqueue_dma source(%dma_start3A_163 : memref<1x64xf32, #tpu.memory_space<vmem>>) target(%dma_start3A_161 : memref<1x64xf32, #tpu.memory_space<hbm>>) target_semaphore(%arg12 : memref<!tpu.dma_semaphore, #tpu.memory_space<semaphore_mem>>)
          %ne3A = arith.cmpi ne, %iota3A, %broadcast_in_dim3A_110 : vector<16xi32>
          %and3A_164 = arith.andi %while3A_105, %ne3A : vector<16xi1>
          %add3A_165 = arith.constant 1 : i32
          %add3A_166 = arith.addi %while3A_106, %add3A_165 : i32
          %sub3A_167 = arith.constant 1 : i32
          %sub3A_168 = arith.subi %while3A_107, %sub3A_167 : i32
          scf.yield %and3A_164, %add3A_166, %sub3A_168 : vector<16xi1>, i32, i32
        }
        scf.yield %while3A_104#1 : i32
      }
      scf.yield %while3A_96 : i32
    }
    %while3A_46 = arith.constant 1 : i32
    %while3A_47 = scf.for %while3A_62 = %while3A_43 to %while3A_39 step %while3A_46 iter_args(%while3A_63 = %while3A_45) -> (i32)  : i32 {
      %rem3A = arith.constant 2 : i32
      %rem3A_64 = arith.remsi %while3A_62, %rem3A : i32
      %add3A_65 = arith.constant 1 : i32
      %add3A_66 = arith.addi %while3A_62, %add3A_65 : i32
      %lt3A = arith.cmpi slt, %add3A_66, %sub3A : i32
      %convert_element_type3A_67 = arith.extui %lt3A : i1 to i32
      %cond3A_68 = arith.constant 0 : i32
      %cond3A_69 = arith.cmpi ne, %convert_element_type3A_67, %cond3A_68 : i32
      scf.if %cond3A_69 {
        %add3A_97 = arith.constant 1 : i32
        %add3A_98 = arith.addi %while3A_62, %add3A_97 : i32
        %add3A_99 = arith.constant 1 : i32
        %add3A_100 = arith.addi %while3A_62, %add3A_99 : i32
        %rem3A_101 = arith.constant 2 : i32
        %rem3A_102 = arith.remsi %add3A_100, %rem3A_101 : i32
        %add3A_103 = arith.addi %mul3A_2, %add3A_98 : i32
        %mul3A_104 = arith.constant 512 : i32
        %mul3A_105 = arith.muli %add3A_103, %mul3A_104 : i32
        %multiple_of3A_106 = tpu.assume_multiple %mul3A_105, 512 : i32
        %dma_start3A_107 = arith.constant 0 : i32
        %dma_start3A_108 = arith.constant 0 : i32
        %dma_start3A_109 = tpu.memref_slice %arg9[%rem3A_102, %dma_start3A_107, %dma_start3A_108] : memref<2x64x512xf32, #tpu.memory_space<vmem>> -> memref<1x64x512xf32, #tpu.memory_space<vmem>>
        %dma_start3A_110 = tpu.memref_squeeze %dma_start3A_109 : memref<1x64x512xf32, #tpu.memory_space<vmem>> -> memref<64x512xf32, #tpu.memory_space<vmem>>
        %dma_start3A_111 = arith.constant 0 : i32
        %dma_start3A_112 = tpu.memref_slice %arg2[%dma_start3A_111, %multiple_of3A_106] : memref<64x1000000xf32, #tpu.memory_space<hbm>> -> memref<64x512xf32, #tpu.memory_space<hbm>>
        %dma_start3A_113 = tpu.memref_slice %arg11[%rem3A_102] : memref<2x!tpu.dma_semaphore, #tpu.memory_space<semaphore_mem>> -> memref<1x!tpu.dma_semaphore, #tpu.memory_space<semaphore_mem>>
        %dma_start3A_114 = tpu.memref_squeeze %dma_start3A_113 : memref<1x!tpu.dma_semaphore, #tpu.memory_space<semaphore_mem>> -> memref<!tpu.dma_semaphore, #tpu.memory_space<semaphore_mem>>
        %dma_start3A_115 = arith.constant 0 : i32
        %dma_start3A_116 = arith.constant 0 : i32
        %dma_start3A_117 = tpu.memref_slice %arg9[%rem3A_102, %dma_start3A_115, %dma_start3A_116] : memref<2x64x512xf32, #tpu.memory_space<vmem>> -> memref<1x64x512xf32, #tpu.memory_space<vmem>>
        %dma_start3A_118 = tpu.memref_squeeze %dma_start3A_117 : memref<1x64x512xf32, #tpu.memory_space<vmem>> -> memref<64x512xf32, #tpu.memory_space<vmem>>
        %dma_start3A_119 = arith.constant 0 : i32
        %dma_start3A_120 = tpu.memref_slice %arg2[%dma_start3A_119, %multiple_of3A_106] : memref<64x1000000xf32, #tpu.memory_space<hbm>> -> memref<64x512xf32, #tpu.memory_space<hbm>>
        tpu.enqueue_dma source(%dma_start3A_120 : memref<64x512xf32, #tpu.memory_space<hbm>>) target(%dma_start3A_118 : memref<64x512xf32, #tpu.memory_space<vmem>>) target_semaphore(%dma_start3A_114 : memref<!tpu.dma_semaphore, #tpu.memory_space<semaphore_mem>>)
      } else {
      }
      %dma_wait3A = arith.constant 0 : i32
      %dma_wait3A_70 = arith.constant 0 : i32
      %dma_wait3A_71 = tpu.memref_slice %arg9[%rem3A_64, %dma_wait3A, %dma_wait3A_70] : memref<2x64x512xf32, #tpu.memory_space<vmem>> -> memref<1x64x512xf32, #tpu.memory_space<vmem>>
      %dma_wait3A_72 = tpu.memref_squeeze %dma_wait3A_71 : memref<1x64x512xf32, #tpu.memory_space<vmem>> -> memref<64x512xf32, #tpu.memory_space<vmem>>
      %dma_wait3A_73 = arith.constant 0 : i32
      %dma_wait3A_74 = arith.constant 0 : i32
      %dma_wait3A_75 = tpu.memref_slice %arg2[%dma_wait3A_73, %dma_wait3A_74] : memref<64x1000000xf32, #tpu.memory_space<hbm>> -> memref<64x512xf32, #tpu.memory_space<hbm>>
      %dma_wait3A_76 = tpu.memref_slice %arg11[%rem3A_64] : memref<2x!tpu.dma_semaphore, #tpu.memory_space<semaphore_mem>> -> memref<1x!tpu.dma_semaphore, #tpu.memory_space<semaphore_mem>>
      %dma_wait3A_77 = tpu.memref_squeeze %dma_wait3A_76 : memref<1x!tpu.dma_semaphore, #tpu.memory_space<semaphore_mem>> -> memref<!tpu.dma_semaphore, #tpu.memory_space<semaphore_mem>>
      %dma_wait3A_78 = arith.constant 0 : i32
      %dma_wait3A_79 = arith.constant 0 : i32
      %dma_wait3A_80 = tpu.memref_slice %arg9[%rem3A_64, %dma_wait3A_78, %dma_wait3A_79] : memref<2x64x512xf32, #tpu.memory_space<vmem>> -> memref<1x64x512xf32, #tpu.memory_space<vmem>>
      %dma_wait3A_81 = tpu.memref_squeeze %dma_wait3A_80 : memref<1x64x512xf32, #tpu.memory_space<vmem>> -> memref<64x512xf32, #tpu.memory_space<vmem>>
      %dma_wait3A_82 = arith.constant 0 : i32
      %dma_wait3A_83 = arith.constant 0 : i32
      %dma_wait3A_84 = tpu.memref_slice %arg2[%dma_wait3A_82, %dma_wait3A_83] : memref<64x1000000xf32, #tpu.memory_space<hbm>> -> memref<64x512xf32, #tpu.memory_space<hbm>>
      tpu.wait_dma2 semaphore(%dma_wait3A_77 : memref<!tpu.dma_semaphore, #tpu.memory_space<semaphore_mem>>) src(%dma_wait3A_84 : memref<64x512xf32, #tpu.memory_space<hbm>>) dst(%dma_wait3A_81 : memref<64x512xf32, #tpu.memory_space<vmem>>)
      %add3A_85 = arith.addi %mul3A_2, %while3A_62 : i32
      %while3A_86 = arith.constant 0 : i32
      %while3A_87 = arith.subi %shift_right_arithmetic3A_17, %while3A_86 : i32
      %while3A_88 = arith.addi %while3A_86, %while3A_87 : i32
      %while3A_89 = arith.constant 1 : i32
      %while3A_90 = arith.divsi %while3A_87, %while3A_89 : i32
      %while3A_91 = arith.muli %while3A_90, %while3A_89 : i32
      %while3A_92 = arith.addi %while3A_86, %while3A_91 : i32
      %while3A_93 = arith.constant 1 : i32
      %while3A_94 = scf.for %while3A_97 = %while3A_86 to %while3A_92 step %while3A_93 iter_args(%while3A_98 = %while3A_63) -> (i32)  : i32 {
        %mul3A_99 = arith.constant 16 : i32
        %mul3A_100 = arith.muli %while3A_97, %mul3A_99 : i32
        %get3A = arith.index_cast %mul3A_100 : i32 to index
        %get3A_101 = tpu.vector_load %arg7[%get3A] {strides = array<i32>} : memref<16400xi32, #tpu.memory_space<vmem>>, vector<16xi32>,
        %eq3A_102 = vector.broadcast %add3A_85 : i32 to vector<16xi32>
        %eq3A_103 = arith.cmpi eq, %get3A_101, %eq3A_102 : vector<16xi32>
        %all_reduce_population_count3A = tpu.all_reduce %eq3A_103 {dim = 0 : i64, kind = #tpu.reduction_kind<sum>} : vector<16xi1> -> vector<16xi32>
        %slice3A = vector.extract_strided_slice %all_reduce_population_count3A {offsets = [0], sizes = [1], strides = [1]} : vector<16xi32> to vector<1xi32>
        %squeeze3A = vector.extract %slice3A[0] : i32 from vector<1xi32>
        %while3A_104:3 = scf.while (%while3A_105 = %eq3A_103, %while3A_106 = %while3A_98, %while3A_107 = %squeeze3A) : (vector<16xi1>, i32, i32) -> (vector<16xi1>, i32, i32) {
          %gt3A = arith.constant 0 : i32
          %gt3A_108 = arith.cmpi sgt, %while3A_107, %gt3A : i32
          scf.condition(%gt3A_108) %while3A_105, %while3A_106, %while3A_107 : vector<16xi1>, i32, i32
        } do {
        ^bb0(%while3A_105: vector<16xi1>, %while3A_106: i32, %while3A_107: i32):
          %all_reduce_ffs3A = tpu.all_reduce %while3A_105 {dim = 0 : i64, kind = #tpu.reduction_kind<find_first_set>} : vector<16xi1> -> vector<16xi32>
          %slice3A_108 = vector.extract_strided_slice %all_reduce_ffs3A {offsets = [0], sizes = [1], strides = [1]} : vector<16xi32> to vector<1xi32>
          %squeeze3A_109 = vector.extract %slice3A_108[0] : i32 from vector<1xi32>
          %broadcast_in_dim3A_110 = vector.broadcast %squeeze3A_109 : i32 to vector<16xi32>
          %mul3A_111 = arith.constant 16 : i32
          %mul3A_112 = arith.muli %while3A_97, %mul3A_111 : i32
          %add3A_113 = vector.broadcast %mul3A_112 : i32 to vector<16xi32>
          %add3A_114 = arith.addi %add3A_113, %broadcast_in_dim3A_110 : vector<16xi32>
          %gather3A = tpu.vector_load_idx %arg8[%add3A_114] : memref<16384xi32, #tpu.memory_space<vmem>>[vector<16xi32>], vector<16xi32>,
          %and3A = arith.constant 511 : i32
          %and3A_115 = vector.broadcast %and3A : i32 to vector<16xi32>
          %and3A_116 = arith.andi %gather3A, %and3A_115 : vector<16xi32>
          %shift_right_arithmetic3A_117 = arith.constant 9 : i32
          %shift_right_arithmetic3A_118 = vector.broadcast %shift_right_arithmetic3A_117 : i32 to vector<16xi32>
          %shift_right_arithmetic3A_119 = arith.shrsi %gather3A, %shift_right_arithmetic3A_118 : vector<16xi32>
          %ge3A = arith.constant 16 : i32
          %ge3A_120 = arith.cmpi sge, %while3A_106, %ge3A : i32
          %convert_element_type3A_121 = arith.extui %ge3A_120 : i1 to i32
          %cond3A_122 = arith.constant 0 : i32
          %cond3A_123 = arith.cmpi ne, %convert_element_type3A_121, %cond3A_122 : i32
          scf.if %cond3A_123 {
            %dma_wait3A_169 = arith.constant 0 : i32
            %dma_wait3A_170 = arith.constant 0 : i32
            %dma_wait3A_171 = tpu.memref_slice %arg10[%dma_wait3A_169, %dma_wait3A_170] : memref<16x64xf32, #tpu.memory_space<vmem>> -> memref<1x64xf32, #tpu.memory_space<vmem>>
            %dma_wait3A_172 = arith.constant 0 : i32
            %dma_wait3A_173 = arith.constant 0 : i32
            %dma_wait3A_174 = tpu.memref_slice %arg5[%dma_wait3A_172, %dma_wait3A_173] : memref<16384x64xf32, #tpu.memory_space<hbm>> -> memref<1x64xf32, #tpu.memory_space<hbm>>
            %dma_wait3A_175 = arith.constant 0 : i32
            %dma_wait3A_176 = arith.constant 0 : i32
            %dma_wait3A_177 = tpu.memref_slice %arg10[%dma_wait3A_175, %dma_wait3A_176] : memref<16x64xf32, #tpu.memory_space<vmem>> -> memref<1x64xf32, #tpu.memory_space<vmem>>
            %dma_wait3A_178 = arith.constant 0 : i32
            %dma_wait3A_179 = arith.constant 0 : i32
            %dma_wait3A_180 = tpu.memref_slice %arg5[%dma_wait3A_178, %dma_wait3A_179] : memref<16384x64xf32, #tpu.memory_space<hbm>> -> memref<1x64xf32, #tpu.memory_space<hbm>>
            tpu.wait_dma2 semaphore(%arg12 : memref<!tpu.dma_semaphore, #tpu.memory_space<semaphore_mem>>) src(%dma_wait3A_180 : memref<1x64xf32, #tpu.memory_space<hbm>>) dst(%dma_wait3A_177 : memref<1x64xf32, #tpu.memory_space<vmem>>)
          } else {
          }
          %rem3A_124 = arith.constant 16 : i32
          %rem3A_125 = arith.remsi %while3A_106, %rem3A_124 : i32
          %broadcast_in_dim3A_126 = vector.broadcast %rem3A_64 : i32 to vector<16xi32>
          %add3A_127 = arith.constant 0 : i32
          %add3A_128 = vector.broadcast %add3A_127 : i32 to vector<16xi32>
          %add3A_129 = arith.addi %iota3A, %add3A_128 : vector<16xi32>
          %gather3A_130 = tpu.vector_load_idx %arg9[%broadcast_in_dim3A_126, %add3A_129, %and3A_116] : memref<2x64x512xf32, #tpu.memory_space<vmem>>[vector<16xi32>, vector<16xi32>, vector<16xi32>], vector<16xf32>,
          %swap3A = arith.index_cast %rem3A_125 : i32 to index
          %swap3A_131 = arith.constant 0 : index
          %swap3A_132 = tpu.vector_load %arg10[%swap3A, %swap3A_131] {strides = array<i32>} : memref<16x64xf32, #tpu.memory_space<vmem>>, vector<16xf32>,
          tpu.vector_store %arg10[%swap3A, %swap3A_131], %gather3A_130 {strides = array<i32>} : memref<16x64xf32, #tpu.memory_space<vmem>>, vector<16xf32>,
          %add3A_133 = arith.constant 16 : i32
          %add3A_134 = vector.broadcast %add3A_133 : i32 to vector<16xi32>
          %add3A_135 = arith.addi %iota3A, %add3A_134 : vector<16xi32>
          %gather3A_136 = tpu.vector_load_idx %arg9[%broadcast_in_dim3A_126, %add3A_135, %and3A_116] : memref<2x64x512xf32, #tpu.memory_space<vmem>>[vector<16xi32>, vector<16xi32>, vector<16xi32>], vector<16xf32>,
          %swap3A_137 = arith.index_cast %rem3A_125 : i32 to index
          %swap3A_138 = arith.constant 16 : index
          %swap3A_139 = tpu.vector_load %arg10[%swap3A_137, %swap3A_138] {strides = array<i32>} : memref<16x64xf32, #tpu.memory_space<vmem>>, vector<16xf32>,
          tpu.vector_store %arg10[%swap3A_137, %swap3A_138], %gather3A_136 {strides = array<i32>} : memref<16x64xf32, #tpu.memory_space<vmem>>, vector<16xf32>,
          %add3A_140 = arith.constant 32 : i32
          %add3A_141 = vector.broadcast %add3A_140 : i32 to vector<16xi32>
          %add3A_142 = arith.addi %iota3A, %add3A_141 : vector<16xi32>
          %gather3A_143 = tpu.vector_load_idx %arg9[%broadcast_in_dim3A_126, %add3A_142, %and3A_116] : memref<2x64x512xf32, #tpu.memory_space<vmem>>[vector<16xi32>, vector<16xi32>, vector<16xi32>], vector<16xf32>,
          %swap3A_144 = arith.index_cast %rem3A_125 : i32 to index
          %swap3A_145 = arith.constant 32 : index
          %swap3A_146 = tpu.vector_load %arg10[%swap3A_144, %swap3A_145] {strides = array<i32>} : memref<16x64xf32, #tpu.memory_space<vmem>>, vector<16xf32>,
          tpu.vector_store %arg10[%swap3A_144, %swap3A_145], %gather3A_143 {strides = array<i32>} : memref<16x64xf32, #tpu.memory_space<vmem>>, vector<16xf32>,
          %add3A_147 = arith.constant 48 : i32
          %add3A_148 = vector.broadcast %add3A_147 : i32 to vector<16xi32>
          %add3A_149 = arith.addi %iota3A, %add3A_148 : vector<16xi32>
          %gather3A_150 = tpu.vector_load_idx %arg9[%broadcast_in_dim3A_126, %add3A_149, %and3A_116] : memref<2x64x512xf32, #tpu.memory_space<vmem>>[vector<16xi32>, vector<16xi32>, vector<16xi32>], vector<16xf32>,
          %swap3A_151 = arith.index_cast %rem3A_125 : i32 to index
          %swap3A_152 = arith.constant 48 : index
          %swap3A_153 = tpu.vector_load %arg10[%swap3A_151, %swap3A_152] {strides = array<i32>} : memref<16x64xf32, #tpu.memory_space<vmem>>, vector<16xf32>,
          tpu.vector_store %arg10[%swap3A_151, %swap3A_152], %gather3A_150 {strides = array<i32>} : memref<16x64xf32, #tpu.memory_space<vmem>>, vector<16xf32>,
          %slice3A_154 = vector.extract_strided_slice %shift_right_arithmetic3A_119 {offsets = [0], sizes = [1], strides = [1]} : vector<16xi32> to vector<1xi32>
          %squeeze3A_155 = vector.extract %slice3A_154[0] : i32 from vector<1xi32>
          %dma_start3A_156 = arith.constant 0 : i32
          %dma_start3A_157 = tpu.memref_slice %arg10[%rem3A_125, %dma_start3A_156] : memref<16x64xf32, #tpu.memory_space<vmem>> -> memref<1x64xf32, #tpu.memory_space<vmem>>
          %dma_start3A_158 = arith.constant 0 : i32
          %dma_start3A_159 = tpu.memref_slice %arg5[%squeeze3A_155, %dma_start3A_158] : memref<16384x64xf32, #tpu.memory_space<hbm>> -> memref<1x64xf32, #tpu.memory_space<hbm>>
          %dma_start3A_160 = arith.constant 0 : i32
          %dma_start3A_161 = tpu.memref_slice %arg5[%squeeze3A_155, %dma_start3A_160] : memref<16384x64xf32, #tpu.memory_space<hbm>> -> memref<1x64xf32, #tpu.memory_space<hbm>>
          %dma_start3A_162 = arith.constant 0 : i32
          %dma_start3A_163 = tpu.memref_slice %arg10[%rem3A_125, %dma_start3A_162] : memref<16x64xf32, #tpu.memory_space<vmem>> -> memref<1x64xf32, #tpu.memory_space<vmem>>
          tpu.enqueue_dma source(%dma_start3A_163 : memref<1x64xf32, #tpu.memory_space<vmem>>) target(%dma_start3A_161 : memref<1x64xf32, #tpu.memory_space<hbm>>) target_semaphore(%arg12 : memref<!tpu.dma_semaphore, #tpu.memory_space<semaphore_mem>>)
          %ne3A = arith.cmpi ne, %iota3A, %broadcast_in_dim3A_110 : vector<16xi32>
          %and3A_164 = arith.andi %while3A_105, %ne3A : vector<16xi1>
          %add3A_165 = arith.constant 1 : i32
          %add3A_166 = arith.addi %while3A_106, %add3A_165 : i32
          %sub3A_167 = arith.constant 1 : i32
          %sub3A_168 = arith.subi %while3A_107, %sub3A_167 : i32
          scf.yield %and3A_164, %add3A_166, %sub3A_168 : vector<16xi1>, i32, i32
        }
        scf.yield %while3A_104#1 : i32
      }
      %while3A_95 = arith.constant 1 : i32
      %while3A_96 = scf.for %while3A_97 = %while3A_92 to %while3A_88 step %while3A_95 iter_args(%while3A_98 = %while3A_94) -> (i32)  : i32 {
        %mul3A_99 = arith.constant 16 : i32
        %mul3A_100 = arith.muli %while3A_97, %mul3A_99 : i32
        %get3A = arith.index_cast %mul3A_100 : i32 to index
        %get3A_101 = tpu.vector_load %arg7[%get3A] {strides = array<i32>} : memref<16400xi32, #tpu.memory_space<vmem>>, vector<16xi32>,
        %eq3A_102 = vector.broadcast %add3A_85 : i32 to vector<16xi32>
        %eq3A_103 = arith.cmpi eq, %get3A_101, %eq3A_102 : vector<16xi32>
        %all_reduce_population_count3A = tpu.all_reduce %eq3A_103 {dim = 0 : i64, kind = #tpu.reduction_kind<sum>} : vector<16xi1> -> vector<16xi32>
        %slice3A = vector.extract_strided_slice %all_reduce_population_count3A {offsets = [0], sizes = [1], strides = [1]} : vector<16xi32> to vector<1xi32>
        %squeeze3A = vector.extract %slice3A[0] : i32 from vector<1xi32>
        %while3A_104:3 = scf.while (%while3A_105 = %eq3A_103, %while3A_106 = %while3A_98, %while3A_107 = %squeeze3A) : (vector<16xi1>, i32, i32) -> (vector<16xi1>, i32, i32) {
          %gt3A = arith.constant 0 : i32
          %gt3A_108 = arith.cmpi sgt, %while3A_107, %gt3A : i32
          scf.condition(%gt3A_108) %while3A_105, %while3A_106, %while3A_107 : vector<16xi1>, i32, i32
        } do {
        ^bb0(%while3A_105: vector<16xi1>, %while3A_106: i32, %while3A_107: i32):
          %all_reduce_ffs3A = tpu.all_reduce %while3A_105 {dim = 0 : i64, kind = #tpu.reduction_kind<find_first_set>} : vector<16xi1> -> vector<16xi32>
          %slice3A_108 = vector.extract_strided_slice %all_reduce_ffs3A {offsets = [0], sizes = [1], strides = [1]} : vector<16xi32> to vector<1xi32>
          %squeeze3A_109 = vector.extract %slice3A_108[0] : i32 from vector<1xi32>
          %broadcast_in_dim3A_110 = vector.broadcast %squeeze3A_109 : i32 to vector<16xi32>
          %mul3A_111 = arith.constant 16 : i32
          %mul3A_112 = arith.muli %while3A_97, %mul3A_111 : i32
          %add3A_113 = vector.broadcast %mul3A_112 : i32 to vector<16xi32>
          %add3A_114 = arith.addi %add3A_113, %broadcast_in_dim3A_110 : vector<16xi32>
          %gather3A = tpu.vector_load_idx %arg8[%add3A_114] : memref<16384xi32, #tpu.memory_space<vmem>>[vector<16xi32>], vector<16xi32>,
          %and3A = arith.constant 511 : i32
          %and3A_115 = vector.broadcast %and3A : i32 to vector<16xi32>
          %and3A_116 = arith.andi %gather3A, %and3A_115 : vector<16xi32>
          %shift_right_arithmetic3A_117 = arith.constant 9 : i32
          %shift_right_arithmetic3A_118 = vector.broadcast %shift_right_arithmetic3A_117 : i32 to vector<16xi32>
          %shift_right_arithmetic3A_119 = arith.shrsi %gather3A, %shift_right_arithmetic3A_118 : vector<16xi32>
          %ge3A = arith.constant 16 : i32
          %ge3A_120 = arith.cmpi sge, %while3A_106, %ge3A : i32
          %convert_element_type3A_121 = arith.extui %ge3A_120 : i1 to i32
          %cond3A_122 = arith.constant 0 : i32
          %cond3A_123 = arith.cmpi ne, %convert_element_type3A_121, %cond3A_122 : i32
          scf.if %cond3A_123 {
            %dma_wait3A_169 = arith.constant 0 : i32
            %dma_wait3A_170 = arith.constant 0 : i32
            %dma_wait3A_171 = tpu.memref_slice %arg10[%dma_wait3A_169, %dma_wait3A_170] : memref<16x64xf32, #tpu.memory_space<vmem>> -> memref<1x64xf32, #tpu.memory_space<vmem>>
            %dma_wait3A_172 = arith.constant 0 : i32
            %dma_wait3A_173 = arith.constant 0 : i32
            %dma_wait3A_174 = tpu.memref_slice %arg5[%dma_wait3A_172, %dma_wait3A_173] : memref<16384x64xf32, #tpu.memory_space<hbm>> -> memref<1x64xf32, #tpu.memory_space<hbm>>
            %dma_wait3A_175 = arith.constant 0 : i32
            %dma_wait3A_176 = arith.constant 0 : i32
            %dma_wait3A_177 = tpu.memref_slice %arg10[%dma_wait3A_175, %dma_wait3A_176] : memref<16x64xf32, #tpu.memory_space<vmem>> -> memref<1x64xf32, #tpu.memory_space<vmem>>
            %dma_wait3A_178 = arith.constant 0 : i32
            %dma_wait3A_179 = arith.constant 0 : i32
            %dma_wait3A_180 = tpu.memref_slice %arg5[%dma_wait3A_178, %dma_wait3A_179] : memref<16384x64xf32, #tpu.memory_space<hbm>> -> memref<1x64xf32, #tpu.memory_space<hbm>>
            tpu.wait_dma2 semaphore(%arg12 : memref<!tpu.dma_semaphore, #tpu.memory_space<semaphore_mem>>) src(%dma_wait3A_180 : memref<1x64xf32, #tpu.memory_space<hbm>>) dst(%dma_wait3A_177 : memref<1x64xf32, #tpu.memory_space<vmem>>)
          } else {
          }
          %rem3A_124 = arith.constant 16 : i32
          %rem3A_125 = arith.remsi %while3A_106, %rem3A_124 : i32
          %broadcast_in_dim3A_126 = vector.broadcast %rem3A_64 : i32 to vector<16xi32>
          %add3A_127 = arith.constant 0 : i32
          %add3A_128 = vector.broadcast %add3A_127 : i32 to vector<16xi32>
          %add3A_129 = arith.addi %iota3A, %add3A_128 : vector<16xi32>
          %gather3A_130 = tpu.vector_load_idx %arg9[%broadcast_in_dim3A_126, %add3A_129, %and3A_116] : memref<2x64x512xf32, #tpu.memory_space<vmem>>[vector<16xi32>, vector<16xi32>, vector<16xi32>], vector<16xf32>,
          %swap3A = arith.index_cast %rem3A_125 : i32 to index
          %swap3A_131 = arith.constant 0 : index
          %swap3A_132 = tpu.vector_load %arg10[%swap3A, %swap3A_131] {strides = array<i32>} : memref<16x64xf32, #tpu.memory_space<vmem>>, vector<16xf32>,
          tpu.vector_store %arg10[%swap3A, %swap3A_131], %gather3A_130 {strides = array<i32>} : memref<16x64xf32, #tpu.memory_space<vmem>>, vector<16xf32>,
          %add3A_133 = arith.constant 16 : i32
          %add3A_134 = vector.broadcast %add3A_133 : i32 to vector<16xi32>
          %add3A_135 = arith.addi %iota3A, %add3A_134 : vector<16xi32>
          %gather3A_136 = tpu.vector_load_idx %arg9[%broadcast_in_dim3A_126, %add3A_135, %and3A_116] : memref<2x64x512xf32, #tpu.memory_space<vmem>>[vector<16xi32>, vector<16xi32>, vector<16xi32>], vector<16xf32>,
          %swap3A_137 = arith.index_cast %rem3A_125 : i32 to index
          %swap3A_138 = arith.constant 16 : index
          %swap3A_139 = tpu.vector_load %arg10[%swap3A_137, %swap3A_138] {strides = array<i32>} : memref<16x64xf32, #tpu.memory_space<vmem>>, vector<16xf32>,
          tpu.vector_store %arg10[%swap3A_137, %swap3A_138], %gather3A_136 {strides = array<i32>} : memref<16x64xf32, #tpu.memory_space<vmem>>, vector<16xf32>,
          %add3A_140 = arith.constant 32 : i32
          %add3A_141 = vector.broadcast %add3A_140 : i32 to vector<16xi32>
          %add3A_142 = arith.addi %iota3A, %add3A_141 : vector<16xi32>
          %gather3A_143 = tpu.vector_load_idx %arg9[%broadcast_in_dim3A_126, %add3A_142, %and3A_116] : memref<2x64x512xf32, #tpu.memory_space<vmem>>[vector<16xi32>, vector<16xi32>, vector<16xi32>], vector<16xf32>,
          %swap3A_144 = arith.index_cast %rem3A_125 : i32 to index
          %swap3A_145 = arith.constant 32 : index
          %swap3A_146 = tpu.vector_load %arg10[%swap3A_144, %swap3A_145] {strides = array<i32>} : memref<16x64xf32, #tpu.memory_space<vmem>>, vector<16xf32>,
          tpu.vector_store %arg10[%swap3A_144, %swap3A_145], %gather3A_143 {strides = array<i32>} : memref<16x64xf32, #tpu.memory_space<vmem>>, vector<16xf32>,
          %add3A_147 = arith.constant 48 : i32
          %add3A_148 = vector.broadcast %add3A_147 : i32 to vector<16xi32>
          %add3A_149 = arith.addi %iota3A, %add3A_148 : vector<16xi32>
          %gather3A_150 = tpu.vector_load_idx %arg9[%broadcast_in_dim3A_126, %add3A_149, %and3A_116] : memref<2x64x512xf32, #tpu.memory_space<vmem>>[vector<16xi32>, vector<16xi32>, vector<16xi32>], vector<16xf32>,
          %swap3A_151 = arith.index_cast %rem3A_125 : i32 to index
          %swap3A_152 = arith.constant 48 : index
          %swap3A_153 = tpu.vector_load %arg10[%swap3A_151, %swap3A_152] {strides = array<i32>} : memref<16x64xf32, #tpu.memory_space<vmem>>, vector<16xf32>,
          tpu.vector_store %arg10[%swap3A_151, %swap3A_152], %gather3A_150 {strides = array<i32>} : memref<16x64xf32, #tpu.memory_space<vmem>>, vector<16xf32>,
          %slice3A_154 = vector.extract_strided_slice %shift_right_arithmetic3A_119 {offsets = [0], sizes = [1], strides = [1]} : vector<16xi32> to vector<1xi32>
          %squeeze3A_155 = vector.extract %slice3A_154[0] : i32 from vector<1xi32>
          %dma_start3A_156 = arith.constant 0 : i32
          %dma_start3A_157 = tpu.memref_slice %arg10[%rem3A_125, %dma_start3A_156] : memref<16x64xf32, #tpu.memory_space<vmem>> -> memref<1x64xf32, #tpu.memory_space<vmem>>
          %dma_start3A_158 = arith.constant 0 : i32
          %dma_start3A_159 = tpu.memref_slice %arg5[%squeeze3A_155, %dma_start3A_158] : memref<16384x64xf32, #tpu.memory_space<hbm>> -> memref<1x64xf32, #tpu.memory_space<hbm>>
          %dma_start3A_160 = arith.constant 0 : i32
          %dma_start3A_161 = tpu.memref_slice %arg5[%squeeze3A_155, %dma_start3A_160] : memref<16384x64xf32, #tpu.memory_space<hbm>> -> memref<1x64xf32, #tpu.memory_space<hbm>>
          %dma_start3A_162 = arith.constant 0 : i32
          %dma_start3A_163 = tpu.memref_slice %arg10[%rem3A_125, %dma_start3A_162] : memref<16x64xf32, #tpu.memory_space<vmem>> -> memref<1x64xf32, #tpu.memory_space<vmem>>
          tpu.enqueue_dma source(%dma_start3A_163 : memref<1x64xf32, #tpu.memory_space<vmem>>) target(%dma_start3A_161 : memref<1x64xf32, #tpu.memory_space<hbm>>) target_semaphore(%arg12 : memref<!tpu.dma_semaphore, #tpu.memory_space<semaphore_mem>>)
          %ne3A = arith.cmpi ne, %iota3A, %broadcast_in_dim3A_110 : vector<16xi32>
          %and3A_164 = arith.andi %while3A_105, %ne3A : vector<16xi1>
          %add3A_165 = arith.constant 1 : i32
          %add3A_166 = arith.addi %while3A_106, %add3A_165 : i32
          %sub3A_167 = arith.constant 1 : i32
          %sub3A_168 = arith.subi %while3A_107, %sub3A_167 : i32
          scf.yield %and3A_164, %add3A_166, %sub3A_168 : vector<16xi1>, i32, i32
        }
        scf.yield %while3A_104#1 : i32
      }
      scf.yield %while3A_96 : i32
    }
    %min3A_48 = arith.constant 16 : i32
    %min3A_49 = arith.minsi %while3A_47, %min3A_48 : i32
    %while3A_50 = arith.constant 0 : i32
    %while3A_51 = arith.constant 0 : i32
    %while3A_52 = arith.subi %min3A_49, %while3A_51 : i32
    %while3A_53 = arith.addi %while3A_51, %while3A_52 : i32
    %while3A_54 = arith.constant 1 : i32
    %while3A_55 = arith.divsi %while3A_52, %while3A_54 : i32
    %while3A_56 = arith.muli %while3A_55, %while3A_54 : i32
    %while3A_57 = arith.addi %while3A_51, %while3A_56 : i32
    %while3A_58 = arith.constant 1 : i32
    scf.for %while3A_62 = %while3A_51 to %while3A_57 step %while3A_58  : i32 {
      %dma_wait3A = arith.constant 0 : i32
      %dma_wait3A_63 = arith.constant 0 : i32
      %dma_wait3A_64 = tpu.memref_slice %arg10[%dma_wait3A, %dma_wait3A_63] : memref<16x64xf32, #tpu.memory_space<vmem>> -> memref<1x64xf32, #tpu.memory_space<vmem>>
      %dma_wait3A_65 = arith.constant 0 : i32
      %dma_wait3A_66 = arith.constant 0 : i32
      %dma_wait3A_67 = tpu.memref_slice %arg5[%dma_wait3A_65, %dma_wait3A_66] : memref<16384x64xf32, #tpu.memory_space<hbm>> -> memref<1x64xf32, #tpu.memory_space<hbm>>
      %dma_wait3A_68 = arith.constant 0 : i32
      %dma_wait3A_69 = arith.constant 0 : i32
      %dma_wait3A_70 = tpu.memref_slice %arg10[%dma_wait3A_68, %dma_wait3A_69] : memref<16x64xf32, #tpu.memory_space<vmem>> -> memref<1x64xf32, #tpu.memory_space<vmem>>
      %dma_wait3A_71 = arith.constant 0 : i32
      %dma_wait3A_72 = arith.constant 0 : i32
      %dma_wait3A_73 = tpu.memref_slice %arg5[%dma_wait3A_71, %dma_wait3A_72] : memref<16384x64xf32, #tpu.memory_space<hbm>> -> memref<1x64xf32, #tpu.memory_space<hbm>>
      tpu.wait_dma2 semaphore(%arg12 : memref<!tpu.dma_semaphore, #tpu.memory_space<semaphore_mem>>) src(%dma_wait3A_73 : memref<1x64xf32, #tpu.memory_space<hbm>>) dst(%dma_wait3A_70 : memref<1x64xf32, #tpu.memory_space<vmem>>)
    }
    %while3A_59 = arith.constant 1 : i32
    scf.for %while3A_62 = %while3A_57 to %while3A_53 step %while3A_59  : i32 {
      %dma_wait3A = arith.constant 0 : i32
      %dma_wait3A_63 = arith.constant 0 : i32
      %dma_wait3A_64 = tpu.memref_slice %arg10[%dma_wait3A, %dma_wait3A_63] : memref<16x64xf32, #tpu.memory_space<vmem>> -> memref<1x64xf32, #tpu.memory_space<vmem>>
      %dma_wait3A_65 = arith.constant 0 : i32
      %dma_wait3A_66 = arith.constant 0 : i32
      %dma_wait3A_67 = tpu.memref_slice %arg5[%dma_wait3A_65, %dma_wait3A_66] : memref<16384x64xf32, #tpu.memory_space<hbm>> -> memref<1x64xf32, #tpu.memory_space<hbm>>
      %dma_wait3A_68 = arith.constant 0 : i32
      %dma_wait3A_69 = arith.constant 0 : i32
      %dma_wait3A_70 = tpu.memref_slice %arg10[%dma_wait3A_68, %dma_wait3A_69] : memref<16x64xf32, #tpu.memory_space<vmem>> -> memref<1x64xf32, #tpu.memory_space<vmem>>
      %dma_wait3A_71 = arith.constant 0 : i32
      %dma_wait3A_72 = arith.constant 0 : i32
      %dma_wait3A_73 = tpu.memref_slice %arg5[%dma_wait3A_71, %dma_wait3A_72] : memref<16384x64xf32, #tpu.memory_space<hbm>> -> memref<1x64xf32, #tpu.memory_space<hbm>>
      tpu.wait_dma2 semaphore(%arg12 : memref<!tpu.dma_semaphore, #tpu.memory_space<semaphore_mem>>) src(%dma_wait3A_73 : memref<1x64xf32, #tpu.memory_space<hbm>>) dst(%dma_wait3A_70 : memref<1x64xf32, #tpu.memory_space<vmem>>)
    }
    %eq3A = arith.constant 0 : i32
    %eq3A_60 = arith.cmpi eq, %add3A, %eq3A : i32
    %convert_element_type3A = arith.extui %eq3A_60 : i1 to i32
    %cond3A = arith.constant 0 : i32
    %cond3A_61 = arith.cmpi ne, %convert_element_type3A, %cond3A : i32
    scf.if %cond3A_61 {
      %scan3A_62 = arith.constant 0 : i32
      %scan3A_63 = arith.constant 0 : i32
      %scan3A_64 = arith.constant 1024 : i32
      %scan3A_65 = arith.addi %scan3A_63, %scan3A_64 : i32
      %scan3A_66 = arith.constant 1 : i32
      scf.for %scan3A_68 = %scan3A_63 to %scan3A_65 step %scan3A_66  : i32 {
        %mul3A_69 = arith.constant 16 : i32
        %mul3A_70 = arith.muli %scan3A_68, %mul3A_69 : i32
        %get3A = arith.index_cast %mul3A_70 : i32 to index
        %get3A_71 = tpu.vector_load %arg6[%get3A] {strides = array<i32>} : memref<16384xi32, #tpu.memory_space<vmem>>, vector<16xi32>,
        %ge3A = arith.constant 999936 : i32
        %ge3A_72 = vector.broadcast %ge3A : i32 to vector<16xi32>
        %ge3A_73 = arith.cmpi sge, %get3A_71, %ge3A_72 : vector<16xi32>
        %all_reduce_population_count3A = tpu.all_reduce %ge3A_73 {dim = 0 : i64, kind = #tpu.reduction_kind<sum>} : vector<16xi1> -> vector<16xi32>
        %slice3A = vector.extract_strided_slice %all_reduce_population_count3A {offsets = [0], sizes = [1], strides = [1]} : vector<16xi32> to vector<1xi32>
        %squeeze3A = vector.extract %slice3A[0] : i32 from vector<1xi32>
        %while3A_74:2 = scf.while (%while3A_75 = %ge3A_73, %while3A_76 = %squeeze3A) : (vector<16xi1>, i32) -> (vector<16xi1>, i32) {
          %gt3A = arith.constant 0 : i32
          %gt3A_77 = arith.cmpi sgt, %while3A_76, %gt3A : i32
          scf.condition(%gt3A_77) %while3A_75, %while3A_76 : vector<16xi1>, i32
        } do {
        ^bb0(%while3A_75: vector<16xi1>, %while3A_76: i32):
          %all_reduce_ffs3A = tpu.all_reduce %while3A_75 {dim = 0 : i64, kind = #tpu.reduction_kind<find_first_set>} : vector<16xi1> -> vector<16xi32>
          %slice3A_77 = vector.extract_strided_slice %all_reduce_ffs3A {offsets = [0], sizes = [1], strides = [1]} : vector<16xi32> to vector<1xi32>
          %squeeze3A_78 = vector.extract %slice3A_77[0] : i32 from vector<1xi32>
          %broadcast_in_dim3A_79 = vector.broadcast %squeeze3A_78 : i32 to vector<16xi32>
          %lt3A = arith.constant 0 : i32
          %lt3A_80 = vector.broadcast %lt3A : i32 to vector<16xi32>
          %lt3A_81 = arith.cmpi slt, %broadcast_in_dim3A_79, %lt3A_80 : vector<16xi32>
          %add3A_82 = arith.constant 16 : i32
          %add3A_83 = vector.broadcast %add3A_82 : i32 to vector<16xi32>
          %add3A_84 = arith.addi %broadcast_in_dim3A_79, %add3A_83 : vector<16xi32>
          %select_n3A = arith.select %lt3A_81, %add3A_84, %broadcast_in_dim3A_79 : vector<16xi1>, vector<16xi32>
          %broadcast_in_dim3A_85 = vector.shape_cast %select_n3A : vector<16xi32> to vector<16x1xi32>
          %gather3A = vector.shape_cast %broadcast_in_dim3A_85 : vector<16x1xi32> to vector<16xi32>
          %gather3A_86 = tpu.dynamic_gather %get3A_71[%gather3A] in [0] : vector<16xi32>, vector<16xi32> -> vector<16xi32>
          %slice3A_87 = vector.extract_strided_slice %gather3A_86 {offsets = [0], sizes = [1], strides = [1]} : vector<16xi32> to vector<1xi32>
          %squeeze3A_88 = vector.extract %slice3A_87[0] : i32 from vector<1xi32>
          %sub3A_89 = arith.constant 999872 : i32
          %sub3A_90 = arith.subi %squeeze3A_88, %sub3A_89 : i32
          %mul3A_91 = arith.constant 16 : i32
          %mul3A_92 = arith.muli %scan3A_68, %mul3A_91 : i32
          %slice3A_93 = vector.extract_strided_slice %all_reduce_ffs3A {offsets = [0], sizes = [1], strides = [1]} : vector<16xi32> to vector<1xi32>
          %squeeze3A_94 = vector.extract %slice3A_93[0] : i32 from vector<1xi32>
          %add3A_95 = arith.addi %mul3A_92, %squeeze3A_94 : i32
          %dma_start3A_96 = arith.constant 0 : i32
          %dma_start3A_97 = arith.constant 0 : i32
          %dma_start3A_98 = tpu.memref_slice %arg10[%dma_start3A_96, %dma_start3A_97] : memref<16x64xf32, #tpu.memory_space<vmem>> -> memref<1x64xf32, #tpu.memory_space<vmem>>
          %dma_start3A_99 = arith.constant 0 : i32
          %dma_start3A_100 = tpu.memref_slice %arg3[%sub3A_90, %dma_start3A_99] : memref<128x64xf32, #tpu.memory_space<hbm>> -> memref<1x64xf32, #tpu.memory_space<hbm>>
          %dma_start3A_101 = arith.constant 0 : i32
          %dma_start3A_102 = arith.constant 0 : i32
          %dma_start3A_103 = tpu.memref_slice %arg10[%dma_start3A_101, %dma_start3A_102] : memref<16x64xf32, #tpu.memory_space<vmem>> -> memref<1x64xf32, #tpu.memory_space<vmem>>
          %dma_start3A_104 = arith.constant 0 : i32
          %dma_start3A_105 = tpu.memref_slice %arg3[%sub3A_90, %dma_start3A_104] : memref<128x64xf32, #tpu.memory_space<hbm>> -> memref<1x64xf32, #tpu.memory_space<hbm>>
          tpu.enqueue_dma source(%dma_start3A_105 : memref<1x64xf32, #tpu.memory_space<hbm>>) target(%dma_start3A_103 : memref<1x64xf32, #tpu.memory_space<vmem>>) target_semaphore(%arg13 : memref<!tpu.dma_semaphore, #tpu.memory_space<semaphore_mem>>)
          %dma_wait3A = arith.constant 0 : i32
          %dma_wait3A_106 = arith.constant 0 : i32
          %dma_wait3A_107 = tpu.memref_slice %arg10[%dma_wait3A, %dma_wait3A_106] : memref<16x64xf32, #tpu.memory_space<vmem>> -> memref<1x64xf32, #tpu.memory_space<vmem>>
          %dma_wait3A_108 = arith.constant 0 : i32
          %dma_wait3A_109 = arith.constant 0 : i32
          %dma_wait3A_110 = tpu.memref_slice %arg3[%dma_wait3A_108, %dma_wait3A_109] : memref<128x64xf32, #tpu.memory_space<hbm>> -> memref<1x64xf32, #tpu.memory_space<hbm>>
          %dma_wait3A_111 = arith.constant 0 : i32
          %dma_wait3A_112 = arith.constant 0 : i32
          %dma_wait3A_113 = tpu.memref_slice %arg10[%dma_wait3A_111, %dma_wait3A_112] : memref<16x64xf32, #tpu.memory_space<vmem>> -> memref<1x64xf32, #tpu.memory_space<vmem>>
          %dma_wait3A_114 = arith.constant 0 : i32
          %dma_wait3A_115 = arith.constant 0 : i32
          %dma_wait3A_116 = tpu.memref_slice %arg3[%dma_wait3A_114, %dma_wait3A_115] : memref<128x64xf32, #tpu.memory_space<hbm>> -> memref<1x64xf32, #tpu.memory_space<hbm>>
          tpu.wait_dma2 semaphore(%arg13 : memref<!tpu.dma_semaphore, #tpu.memory_space<semaphore_mem>>) src(%dma_wait3A_116 : memref<1x64xf32, #tpu.memory_space<hbm>>) dst(%dma_wait3A_113 : memref<1x64xf32, #tpu.memory_space<vmem>>)
          %dma_start3A_117 = arith.constant 0 : i32
          %dma_start3A_118 = arith.constant 0 : i32
          %dma_start3A_119 = tpu.memref_slice %arg10[%dma_start3A_117, %dma_start3A_118] : memref<16x64xf32, #tpu.memory_space<vmem>> -> memref<1x64xf32, #tpu.memory_space<vmem>>
          %dma_start3A_120 = arith.constant 0 : i32
          %dma_start3A_121 = tpu.memref_slice %arg5[%add3A_95, %dma_start3A_120] : memref<16384x64xf32, #tpu.memory_space<hbm>> -> memref<1x64xf32, #tpu.memory_space<hbm>>
          %dma_start3A_122 = arith.constant 0 : i32
          %dma_start3A_123 = tpu.memref_slice %arg5[%add3A_95, %dma_start3A_122] : memref<16384x64xf32, #tpu.memory_space<hbm>> -> memref<1x64xf32, #tpu.memory_space<hbm>>
          %dma_start3A_124 = arith.constant 0 : i32
          %dma_start3A_125 = arith.constant 0 : i32
          %dma_start3A_126 = tpu.memref_slice %arg10[%dma_start3A_124, %dma_start3A_125] : memref<16x64xf32, #tpu.memory_space<vmem>> -> memref<1x64xf32, #tpu.memory_space<vmem>>
          tpu.enqueue_dma source(%dma_start3A_126 : memref<1x64xf32, #tpu.memory_space<vmem>>) target(%dma_start3A_123 : memref<1x64xf32, #tpu.memory_space<hbm>>) target_semaphore(%arg13 : memref<!tpu.dma_semaphore, #tpu.memory_space<semaphore_mem>>)
          %dma_wait3A_127 = arith.constant 0 : i32
          %dma_wait3A_128 = arith.constant 0 : i32
          %dma_wait3A_129 = tpu.memref_slice %arg10[%dma_wait3A_127, %dma_wait3A_128] : memref<16x64xf32, #tpu.memory_space<vmem>> -> memref<1x64xf32, #tpu.memory_space<vmem>>
          %dma_wait3A_130 = arith.constant 0 : i32
          %dma_wait3A_131 = arith.constant 0 : i32
          %dma_wait3A_132 = tpu.memref_slice %arg3[%dma_wait3A_130, %dma_wait3A_131] : memref<128x64xf32, #tpu.memory_space<hbm>> -> memref<1x64xf32, #tpu.memory_space<hbm>>
          %dma_wait3A_133 = arith.constant 0 : i32
          %dma_wait3A_134 = arith.constant 0 : i32
          %dma_wait3A_135 = tpu.memref_slice %arg10[%dma_wait3A_133, %dma_wait3A_134] : memref<16x64xf32, #tpu.memory_space<vmem>> -> memref<1x64xf32, #tpu.memory_space<vmem>>
          %dma_wait3A_136 = arith.constant 0 : i32
          %dma_wait3A_137 = arith.constant 0 : i32
          %dma_wait3A_138 = tpu.memref_slice %arg3[%dma_wait3A_136, %dma_wait3A_137] : memref<128x64xf32, #tpu.memory_space<hbm>> -> memref<1x64xf32, #tpu.memory_space<hbm>>
          tpu.wait_dma2 semaphore(%arg13 : memref<!tpu.dma_semaphore, #tpu.memory_space<semaphore_mem>>) src(%dma_wait3A_138 : memref<1x64xf32, #tpu.memory_space<hbm>>) dst(%dma_wait3A_135 : memref<1x64xf32, #tpu.memory_space<vmem>>)
          %ne3A = arith.cmpi ne, %iota3A, %broadcast_in_dim3A_79 : vector<16xi32>
          %and3A = arith.andi %while3A_75, %ne3A : vector<16xi1>
          %sub3A_139 = arith.constant 1 : i32
          %sub3A_140 = arith.subi %while3A_76, %sub3A_139 : i32
          scf.yield %and3A, %sub3A_140 : vector<16xi1>, i32
        }
      }
      %scan3A_67 = arith.constant 1024 : i32
    } else {
    }
    return
  }
}

module attributes {stable_mosaic.version = 14 : i64} {
  func.func @_fused_body(%arg0: i32, %arg1: i32, %arg2: memref<2048x64xf32, #tpu.memory_space<vmem>>, %arg3: memref<64x256xf32, #tpu.memory_space<vmem>>, %arg4: memref<1x256xf32, #tpu.memory_space<vmem>>, %arg5: memref<1x256xf32, #tpu.memory_space<vmem>>, %arg6: memref<1x256xf32, #tpu.memory_space<vmem>>, %arg7: memref<256x256xf32, #tpu.memory_space<vmem>>, %arg8: memref<1x256xf32, #tpu.memory_space<vmem>>, %arg9: memref<2048x256xf32, #tpu.memory_space<vmem>>, %arg10: memref<2x256xf32, #tpu.memory_space<vmem>>) attributes {dimension_semantics = [#tpu.dimension_semantics<arbitrary>, #tpu.dimension_semantics<arbitrary>], iteration_bounds = array<i64: 2, 8>, scalar_prefetch = 0 : i64, scratch_operands = 1 : i64, tpu.core_type = #tpu.core_type<tc>, window_params = [{transform_indices = @transform_0, window_bounds = array<i64: 2048, 64>}, {pipeline_mode = #tpu.pipeline_mode<synchronous>, transform_indices = @transform_1, window_bounds = array<i64: 64, 256>}, {pipeline_mode = #tpu.pipeline_mode<synchronous>, transform_indices = @transform_2, window_bounds = array<i64: 1, 256>}, {pipeline_mode = #tpu.pipeline_mode<synchronous>, transform_indices = @transform_3, window_bounds = array<i64: 1, 256>}, {pipeline_mode = #tpu.pipeline_mode<synchronous>, transform_indices = @transform_4, window_bounds = array<i64: 1, 256>}, {pipeline_mode = #tpu.pipeline_mode<synchronous>, transform_indices = @transform_5, window_bounds = array<i64: 256, 256>}, {pipeline_mode = #tpu.pipeline_mode<synchronous>, transform_indices = @transform_6, window_bounds = array<i64: 1, 256>}, {transform_indices = @transform_7, window_bounds = array<i64: 2048, 256>}]} {
    %get3A = arith.constant 0 : index
    %get3A_0 = arith.constant 0 : index
    %get3A_1 = vector.load %arg2[%get3A, %get3A_0] : memref<2048x64xf32, #tpu.memory_space<vmem>>, vector<2048x64xf32>
    %get3A_2 = arith.constant 0 : index
    %get3A_3 = arith.constant 0 : index
    %get3A_4 = vector.load %arg3[%get3A_2, %get3A_3] : memref<64x256xf32, #tpu.memory_space<vmem>>, vector<64x256xf32>
    %get3A_5 = arith.constant 0 : index
    %get3A_6 = arith.constant 0 : index
    %get3A_7 = vector.load %arg4[%get3A_5, %get3A_6] : memref<1x256xf32, #tpu.memory_space<vmem>>, vector<1x256xf32>
    %dot_general3A = arith.constant dense<0.000000e+00> : vector<2048x256xf32>
    %dot_general3A_8 = tpu.matmul %get3A_1, %get3A_4, %dot_general3A {dimension_numbers = #tpu.dot_dimension_numbers<[1], [0], [0], [1], [0, 0, 1, 1], [], []>, transpose_lhs_hint = false} : vector<2048x64xf32>, vector<64x256xf32>, vector<2048x256xf32> -> vector<2048x256xf32>
    %add3A = vector.broadcast %get3A_7 : vector<1x256xf32> to vector<2048x256xf32>
    %add3A_9 = arith.addf %dot_general3A_8, %add3A : vector<2048x256xf32>
    %max3A = arith.constant 0.000000e+00 : f32
    %max3A_10 = vector.broadcast %max3A : f32 to vector<2048x256xf32>
    %max3A_11 = arith.maximumf %add3A_9, %max3A_10 : vector<2048x256xf32>
    %eq3A = arith.constant 0 : i32
    %eq3A_12 = arith.cmpi eq, %arg0, %eq3A : i32
    %eq3A_13 = arith.constant 0 : i32
    %eq3A_14 = arith.cmpi eq, %arg1, %eq3A_13 : i32
    %and3A = arith.andi %eq3A_12, %eq3A_14 : i1
    %convert_element_type3A = arith.extui %and3A : i1 to i32
    %cond3A = arith.constant 0 : i32
    %cond3A_15 = arith.cmpi ne, %convert_element_type3A, %cond3A : i32
    scf.if %cond3A_15 {
      %broadcast_in_dim3A = arith.constant 0.000000e+00 : f32
      %broadcast_in_dim3A_26 = vector.broadcast %broadcast_in_dim3A : f32 to vector<2x256xf32>
      %swap3A = arith.constant 0 : index
      %swap3A_27 = arith.constant 0 : index
      %swap3A_28 = vector.load %arg10[%swap3A, %swap3A_27] : memref<2x256xf32, #tpu.memory_space<vmem>>, vector<2x256xf32>
      tpu.vector_store %arg10[%swap3A, %swap3A_27], %broadcast_in_dim3A_26 {strides = array<i32>} : memref<2x256xf32, #tpu.memory_space<vmem>>, vector<2x256xf32>,
    } else {
    }
    %eq3A_16 = arith.constant 0 : i32
    %eq3A_17 = arith.cmpi eq, %arg0, %eq3A_16 : i32
    %convert_element_type3A_18 = arith.extui %eq3A_17 : i1 to i32
    %cond3A_19 = arith.constant 0 : i32
    %cond3A_20 = arith.cmpi ne, %convert_element_type3A_18, %cond3A_19 : i32
    scf.if %cond3A_20 {
      %get3A_26 = arith.constant 0 : index
      %get3A_27 = arith.constant 0 : index
      %get3A_28 = vector.load %arg10[%get3A_26, %get3A_27] : memref<2x256xf32, #tpu.memory_space<vmem>>, vector<1x256xf32>
      %reduce_sum3A = arith.constant dense<0.000000e+00> : vector<256xf32>
      %reduce_sum3A_29 = vector.multi_reduction <add>, %max3A_11, %reduce_sum3A [0] : vector<2048x256xf32> to vector<256xf32>
      %broadcast_in_dim3A = vector.shape_cast %reduce_sum3A_29 : vector<256xf32> to vector<1x256xf32>
      %add3A_30 = arith.addf %get3A_28, %broadcast_in_dim3A : vector<1x256xf32>
      %swap3A = arith.constant 0 : index
      %swap3A_31 = arith.constant 0 : index
      %swap3A_32 = vector.load %arg10[%swap3A, %swap3A_31] : memref<2x256xf32, #tpu.memory_space<vmem>>, vector<1x256xf32>
      tpu.vector_store %arg10[%swap3A, %swap3A_31], %add3A_30 {strides = array<i32>} : memref<2x256xf32, #tpu.memory_space<vmem>>, vector<1x256xf32>,
      %get3A_33 = arith.constant 1 : index
      %get3A_34 = arith.constant 0 : index
      %get3A_35 = vector.load %arg10[%get3A_33, %get3A_34] : memref<2x256xf32, #tpu.memory_space<vmem>>, vector<1x256xf32>
      %mul3A = arith.mulf %max3A_11, %max3A_11 : vector<2048x256xf32>
      %reduce_sum3A_36 = arith.constant dense<0.000000e+00> : vector<256xf32>
      %reduce_sum3A_37 = vector.multi_reduction <add>, %mul3A, %reduce_sum3A_36 [0] : vector<2048x256xf32> to vector<256xf32>
      %broadcast_in_dim3A_38 = vector.shape_cast %reduce_sum3A_37 : vector<256xf32> to vector<1x256xf32>
      %add3A_39 = arith.addf %get3A_35, %broadcast_in_dim3A_38 : vector<1x256xf32>
      %swap3A_40 = arith.constant 1 : index
      %swap3A_41 = arith.constant 0 : index
      %swap3A_42 = vector.load %arg10[%swap3A_40, %swap3A_41] : memref<2x256xf32, #tpu.memory_space<vmem>>, vector<1x256xf32>
      tpu.vector_store %arg10[%swap3A_40, %swap3A_41], %add3A_39 {strides = array<i32>} : memref<2x256xf32, #tpu.memory_space<vmem>>, vector<1x256xf32>,
    } else {
    }
    %eq3A_21 = arith.constant 1 : i32
    %eq3A_22 = arith.cmpi eq, %arg0, %eq3A_21 : i32
    %convert_element_type3A_23 = arith.extui %eq3A_22 : i1 to i32
    %cond3A_24 = arith.constant 0 : i32
    %cond3A_25 = arith.cmpi ne, %convert_element_type3A_23, %cond3A_24 : i32
    scf.if %cond3A_25 {
      %get3A_26 = arith.constant 0 : index
      %get3A_27 = arith.constant 0 : index
      %get3A_28 = vector.load %arg10[%get3A_26, %get3A_27] : memref<2x256xf32, #tpu.memory_space<vmem>>, vector<1x256xf32>
      %mul3A = arith.constant 6.10351563E-5 : f32
      %mul3A_29 = vector.broadcast %mul3A : f32 to vector<1x256xf32>
      %mul3A_30 = arith.mulf %get3A_28, %mul3A_29 : vector<1x256xf32>
      %get3A_31 = arith.constant 1 : index
      %get3A_32 = arith.constant 0 : index
      %get3A_33 = vector.load %arg10[%get3A_31, %get3A_32] : memref<2x256xf32, #tpu.memory_space<vmem>>, vector<1x256xf32>
      %mul3A_34 = arith.constant 6.10351563E-5 : f32
      %mul3A_35 = vector.broadcast %mul3A_34 : f32 to vector<1x256xf32>
      %mul3A_36 = arith.mulf %get3A_33, %mul3A_35 : vector<1x256xf32>
      %mul3A_37 = arith.mulf %mul3A_30, %mul3A_30 : vector<1x256xf32>
      %sub3A = arith.subf %mul3A_36, %mul3A_37 : vector<1x256xf32>
      %get3A_38 = arith.constant 0 : index
      %get3A_39 = arith.constant 0 : index
      %get3A_40 = vector.load %arg5[%get3A_38, %get3A_39] : memref<1x256xf32, #tpu.memory_space<vmem>>, vector<1x256xf32>
      %add3A_41 = arith.constant 9.99999974E-6 : f32
      %add3A_42 = vector.broadcast %add3A_41 : f32 to vector<1x256xf32>
      %add3A_43 = arith.addf %sub3A, %add3A_42 : vector<1x256xf32>
      %rsqrt3A = math.rsqrt %add3A_43 : vector<1x256xf32>
      %mul3A_44 = arith.mulf %get3A_40, %rsqrt3A : vector<1x256xf32>
      %get3A_45 = arith.constant 0 : index
      %get3A_46 = arith.constant 0 : index
      %get3A_47 = vector.load %arg7[%get3A_45, %get3A_46] : memref<256x256xf32, #tpu.memory_space<vmem>>, vector<256x256xf32>
      %reshape3A = vector.shape_cast %mul3A_44 : vector<1x256xf32> to vector<256x1xf32>
      %mul3A_48 = vector.broadcast %reshape3A : vector<256x1xf32> to vector<256x256xf32>
      %mul3A_49 = arith.mulf %get3A_47, %mul3A_48 : vector<256x256xf32>
      %get3A_50 = arith.constant 0 : index
      %get3A_51 = arith.constant 0 : index
      %get3A_52 = vector.load %arg6[%get3A_50, %get3A_51] : memref<1x256xf32, #tpu.memory_space<vmem>>, vector<1x256xf32>
      %mul3A_53 = arith.mulf %mul3A_30, %mul3A_44 : vector<1x256xf32>
      %sub3A_54 = arith.subf %get3A_52, %mul3A_53 : vector<1x256xf32>
      %dot_general3A_55 = arith.constant dense<0.000000e+00> : vector<1x256xf32>
      %dot_general3A_56 = tpu.matmul %sub3A_54, %get3A_47, %dot_general3A_55 {dimension_numbers = #tpu.dot_dimension_numbers<[1], [0], [0], [1], [0, 0, 1, 1], [], []>, transpose_lhs_hint = false} : vector<1x256xf32>, vector<256x256xf32>, vector<1x256xf32> -> vector<1x256xf32>
      %get3A_57 = arith.constant 0 : index
      %get3A_58 = arith.constant 0 : index
      %get3A_59 = vector.load %arg8[%get3A_57, %get3A_58] : memref<1x256xf32, #tpu.memory_space<vmem>>, vector<1x256xf32>
      %add3A_60 = arith.addf %dot_general3A_56, %get3A_59 : vector<1x256xf32>
      %dot_general3A_61 = arith.constant dense<0.000000e+00> : vector<2048x256xf32>
      %dot_general3A_62 = tpu.matmul %max3A_11, %mul3A_49, %dot_general3A_61 {dimension_numbers = #tpu.dot_dimension_numbers<[1], [0], [0], [1], [0, 0, 1, 1], [], []>, transpose_lhs_hint = false} : vector<2048x256xf32>, vector<256x256xf32>, vector<2048x256xf32> -> vector<2048x256xf32>
      %add3A_63 = vector.broadcast %add3A_60 : vector<1x256xf32> to vector<2048x256xf32>
      %add3A_64 = arith.addf %dot_general3A_62, %add3A_63 : vector<2048x256xf32>
      %max3A_65 = arith.constant 0.000000e+00 : f32
      %max3A_66 = vector.broadcast %max3A_65 : f32 to vector<2048x256xf32>
      %max3A_67 = arith.maximumf %add3A_64, %max3A_66 : vector<2048x256xf32>
      %swap3A = arith.constant 0 : index
      %swap3A_68 = arith.constant 0 : index
      %swap3A_69 = vector.load %arg9[%swap3A, %swap3A_68] : memref<2048x256xf32, #tpu.memory_space<vmem>>, vector<2048x256xf32>
      tpu.vector_store %arg9[%swap3A, %swap3A_68], %max3A_67 {strides = array<i32>} : memref<2048x256xf32, #tpu.memory_space<vmem>>, vector<2048x256xf32>,
    } else {
    }
    return
  }
  func.func @transform_0(%arg0: i32, %arg1: i32) -> (i32, i32) {
    %c0_i32 = arith.constant 0 : i32
    %c0_i32_0 = arith.constant 0 : i32
    return %arg1, %c0_i32 : i32, i32
  }
  func.func @transform_1(%arg0: i32, %arg1: i32) -> (i32, i32) {
    %c0_i32 = arith.constant 0 : i32
    %c0_i32_0 = arith.constant 0 : i32
    %c0_i32_1 = arith.constant 0 : i32
    return %c0_i32, %c0_i32_0 : i32, i32
  }
  func.func @transform_2(%arg0: i32, %arg1: i32) -> (i32, i32) {
    %c0_i32 = arith.constant 0 : i32
    %c0_i32_0 = arith.constant 0 : i32
    %c0_i32_1 = arith.constant 0 : i32
    return %c0_i32, %c0_i32_0 : i32, i32
  }
  func.func @transform_3(%arg0: i32, %arg1: i32) -> (i32, i32) {
    %c0_i32 = arith.constant 0 : i32
    %c0_i32_0 = arith.constant 0 : i32
    %c0_i32_1 = arith.constant 0 : i32
    return %c0_i32, %c0_i32_0 : i32, i32
  }
  func.func @transform_4(%arg0: i32, %arg1: i32) -> (i32, i32) {
    %c0_i32 = arith.constant 0 : i32
    %c0_i32_0 = arith.constant 0 : i32
    %c0_i32_1 = arith.constant 0 : i32
    return %c0_i32, %c0_i32_0 : i32, i32
  }
  func.func @transform_5(%arg0: i32, %arg1: i32) -> (i32, i32) {
    %c0_i32 = arith.constant 0 : i32
    %c0_i32_0 = arith.constant 0 : i32
    %c0_i32_1 = arith.constant 0 : i32
    return %c0_i32, %c0_i32_0 : i32, i32
  }
  func.func @transform_6(%arg0: i32, %arg1: i32) -> (i32, i32) {
    %c0_i32 = arith.constant 0 : i32
    %c0_i32_0 = arith.constant 0 : i32
    %c0_i32_1 = arith.constant 0 : i32
    return %c0_i32, %c0_i32_0 : i32, i32
  }
  func.func @transform_7(%arg0: i32, %arg1: i32) -> (i32, i32) {
    %mul3A = arith.muli %arg1, %arg0 : i32
    %c0_i32 = arith.constant 0 : i32
    %c0_i32_0 = arith.constant 0 : i32
    return %mul3A, %c0_i32 : i32, i32
  }
}

</mosaic_0001>

<sc_bundles>
// kernel: kernel.4.cloned.1.call-start
scs
__scs_entry_jumppad:
0x0: {  	(pc) =	sbr.rel $0x88, $3  }
0x1: {  	(tag) =	ssettag $0x0;
	lr =	simm.s32 $0x1  }
0x2: {  	[smem:$0x3F99] =	sst lr;
	_ =	strace $0xD0000000  }
0x3: {  	_ = 	snop  }
0x4: {  	_ = 	snop  }
0x5: {  	_ = 	snop  }
0x6: {  	_ = 	snop  }
0x7: {  	_ = 	snop  }
__scs_overlays_trampoline_lowered:
0x8: {  	[smem:$0x3FA8] =	sst s0  }
0x9: {  	[smem:$0x3FA9] =	sst s1  }
0xa: {  	[smem:$0x3FAA] =	sst s2  }
0xb: {  	[smem:$0x3FAB] =	sst s3  }
0xc: {  	[smem:$0x3FAC] =	sst s4  }
0xd: {  	[smem:$0x3FAD] =	sst s5  }
0xe: {  	[smem:$0x3FAE] =	sst s6  }
0xf: {  	[smem:$0x3FAF] =	sst s7  }
0x10: {  	[smem:$0x3FB0] =	sst s8  }
0x11: {  	[smem:$0x3FB1] =	sst s9;
	s0 =	simm.s32 @!p0 $0x0  }
0x12: {  	s1 =	sld [smem:$0x3F97];
	s0 =	simm.s32 @p0 $0x1  }
0x13: {  	[smem:$0x3FB2] =	sst s0;
	s0 =	simm.s32 @!p1 $0x0  }
0x14: {  	s2 =	sld [smem:$0x3F96];
	s0 =	simm.s32 @p1 $0x1  }
0x15: {  	[smem:$0x3FB3] =	sst s0;
	s0 =	simm.s32 @!p2 $0x0  }
0x16: {  	s3 =	sld [smem:$0x3FDB];
	s0 =	simm.s32 @p2 $0x1  }
0x17: {  	s4 =	simm.s32 $0x1BF5;
	[smem:$0x3FB5] =	sst s0  }
0x18: {  	s0 =	sld [smem:$0x3F98];
	_ =	swait.ge [sflag:s4], $0x0  }
0x19: {  	s7 =	sld [smem:$0x3F99]  }
0x1a: {  	s8 =	sadd.s32 $0xFFFFE003, lr  }
0x1b: {  	s9 =	sadd.s32 $0xFFFFFEF7, lr;
	s5 =	simm.s32 $0xFFFFFFFF;
	p2 =	slt.u32 s8, $0xFFFFF086  }
0x1c: {  	p1 =	slt.u32 s9, $0xF7A;
	s5 =	simm.s32 @!p2 $0x0  }
0x1d: {  	s5 =	simm.s32 @p1 $0x1;
	p0 =	seq.s32 s7, s2  }
0x1e: {  	s7 =	smul.u32 @!p0 $0xF7A, s2;
	p2 =	seq.s32 @!p0 s5, $0x0  }
0x1f: {  	s9 =	smul.u32 $0xF7A, s1;
	s8 =	simm.s32 @!p0 $0x1BF5;
	p2 =	por !p2, p0  }
0x20: {  	[sflag:s8] =	ssyncset.s32 @!p0 $0xFFFFF086;
	s6 =	sadd.s32 @!p0 s3, s7;
	s7 =	simm.s32 @!p0 $0x108  }
0x21: {  	s3 =	sadd.s32 s3, s9;
	s6 =	sadd.s32 @!p0 $0x88, s6;
	s7 =	simm.s32 @p2 $0x1082  }
0x22: {  	[simem:s7], [sflag:s8] =	dma.local @!p0 [hbm:s6], $0xF7A  }
0x23: {  	s9 =	sor.u32 $0xD0000000, s2;
	s6 =	simm.s32 $0x108;
	_ =	swait.ge @!p0 [sflag:s8], $0x0  }
0x24: {  	s3 =	sadd.s32 $0x88, s3;
	s6 =	simm.s32 @!p1 $0x1082;
	[sflag:s4] =	ssyncset.s32 $0xFFFFF086  }
0x25: {  	[simem:s6], [sflag:s4] =	dma.local [hbm:s3], $0xF7A  }
0x26: {  	[smem:$0x3F99] =	sst s1;
	(tag) =	ssettag s2;
	_ =	strace s9  }
0x27: {  	s1 =	sld [smem:$0x3FA9]  }
0x28: {  	s2 =	sld [smem:$0x3FAA]  }
0x29: {  	s4 =	sld [smem:$0x3FAC]  }
0x2a: {  	p0 =	seq.s32 s5, $0x0;
	s5 =	sld [smem:$0x3FAD]  }
0x2b: {  	s6 =	sld [smem:$0x3FAE]  }
0x2c: {  	s7 =	sld [smem:$0x3FAF]  }
0x2d: {  	s3 =	simm.s32 $0x108;
	s8 =	sld [smem:$0x3FB0]  }
0x2e: {  	s3 =	simm.s32 @!p0 $0x1082;
	s9 =	sld [smem:$0x3FB1]  }
0x2f: {  	lr =	sadd.s32 s0, s3;
	s0 =	sld [smem:$0x3FA8]  }
0x30: {  	s3 =	sld [smem:$0x3FAB]  }
0x31: {  	[smem:$0x3FB4] =	sst s10  }
0x32: {  	s10 =	sld [smem:$0x3FB2];
	_ =	sdelay $0x3  }
0x33: {  	p0 =	seq.s32 s10, $0x1;
	s10 =	sld [smem:$0x3FB4];
	_ =	sdelay $0x3  }
0x34: {  	[smem:$0x3FB4] =	sst s10  }
0x35: {  	s10 =	sld [smem:$0x3FB3];
	_ =	sdelay $0x3  }
0x36: {  	p1 =	seq.s32 s10, $0x1;
	s10 =	sld [smem:$0x3FB4];
	_ =	sdelay $0x3  }
0x37: {  	[smem:$0x3FB4] =	sst s10  }
0x38: {  	s10 =	sld [smem:$0x3FB5]  }
0x39: {  	_ = 	snop;
	(pc) =	sbr.ind lr, $3  }
0x3a: {  	_ = 	snop  }
0x3b: {  	_ = 	snop  }
0x3c: {  	p2 =	seq.s32 s10, $0x1;
	s10 =	sld [smem:$0x3FB4]  }
0x3d: {  	_ =	shalt  }
0x3e: {  	_ =	shalt  }
0x3f: {  	_ =	shalt  }
0x40: {  	_ =	shalt  }
0x41: {  	_ =	shalt  }
0x42: {  	_ =	shalt  }
0x43: {  	_ =	shalt  }
0x44: {  	_ =	shalt  }
0x45: {  	_ =	shalt  }
0x46: {  	_ =	shalt  }
0x47: {  	_ =	shalt  }
0x48: {  	_ =	shalt  }
0x49: {  	_ =	shalt  }
0x4a: {  	_ =	shalt  }
0x4b: {  	_ =	shalt  }
0x4c: {  	_ =	shalt  }
0x4d: {  	_ =	shalt  }
0x4e: {  	_ =	shalt  }
0x4f: {  	_ =	shalt  }
0x50: {  	_ =	shalt  }
0x51: {  	_ =	shalt  }
0x52: {  	_ =	shalt  }
0x53: {  	_ =	shalt  }
0x54: {  	_ =	shalt  }
0x55: {  	_ =	shalt  }
0x56: {  	_ =	shalt  }
0x57: {  	_ =	shalt  }
0x58: {  	_ =	shalt  }
0x59: {  	_ =	shalt  }
0x5a: {  	_ =	shalt  }
0x5b: {  	_ =	shalt  }
0x5c: {  	_ =	shalt  }
0x5d: {  	_ =	shalt  }
0x5e: {  	_ =	shalt  }
0x5f: {  	_ =	shalt  }
0x60: {  	_ =	shalt  }
0x61: {  	_ =	shalt  }
0x62: {  	_ =	shalt  }
0x63: {  	_ =	shalt  }
0x64: {  	_ =	shalt  }
0x65: {  	_ =	shalt  }
0x66: {  	_ =	shalt  }
0x67: {  	_ =	shalt  }
0x68: {  	_ =	shalt  }
0x69: {  	_ =	shalt  }
0x6a: {  	_ =	shalt  }
0x6b: {  	_ =	shalt  }
0x6c: {  	_ =	shalt  }
0x6d: {  	_ =	shalt  }
0x6e: {  	_ =	shalt  }
0x6f: {  	_ =	shalt  }
0x70: {  	_ =	shalt  }
0x71: {  	_ =	shalt  }
0x72: {  	_ =	shalt  }
0x73: {  	_ =	shalt  }
0x74: {  	_ =	shalt  }
0x75: {  	_ =	shalt  }
0x76: {  	_ =	shalt  }
0x77: {  	_ =	shalt  }
0x78: {  	_ =	shalt  }
0x79: {  	_ =	shalt  }
0x7a: {  	_ =	shalt  }
0x7b: {  	_ =	shalt  }
0x7c: {  	_ =	shalt  }
0x7d: {  	_ =	shalt  }
0x7e: {  	_ =	shalt  }
0x7f: {  	_ =	shalt  }
0x80: {  	_ =	shalt  }
0x81: {  	_ =	shalt  }
0x82: {  	_ =	shalt  }
0x83: {  	_ =	shalt  }
0x84: {  	_ =	shalt  }
0x85: {  	_ =	shalt  }
0x86: {  	_ =	shalt  }
0x87: {  	_ =	shalt  }
.Lfunc_end0:
.L_simem_size_0:
called_computation_lowered:
.L_overlay_start_0:
0x88: {  	s2 =	sld [smem:$0x3FD9]  }
0x89: {  	s3 =	sld [smem:$0x3FFE];
	_ =	sdelay $0x1  }
0x8a: {  	s1 =	srdreg.scid  }
0x8b: {  	s0 =	sand.u32 $0x1, s1  }
0x8c: {  	s17 =	sshll.u32 s0, $0xA;
	s2 =	sadd.s32 s3, s2  }
0x8d: {  	s2 =	sadd.s32 s2, s17  }
0x8e: {  	[smem:$0x3FC0] =	sst s2  }
0x8f: {  	_ = 	snop  }
0x90: {  	s2 =	sld [smem:$0x3FC9]  }
0x91: {  	s18 =	sld [smem:$0x3FC8]  }
0x92: {  	s4 =	sld [smem:$0x3FD0];
	(tm) =	ssettm $0x1  }
0x93: {  	s5 =	sld [smem:$0x3FFB];
	_ =	sdelay $0x3  }
0x94: {  	_ =	strace s5  }
0x95: {  	s5 =	sld [smem:$0x3FFC];
	_ =	sdelay $0x3  }
0x96: {  	_ =	strace s5  }
0x97: {  	s5 =	sld [smem:$0x3FFD];
	_ =	sdelay $0x3  }
0x98: {  	_ =	strace s5  }
0x99: {  	_ =	strace $0x8FFFFFFF  }
0x9a: {  	s19 =	sld [smem:$0x3FDB];
	_ =	sdelay $0x1  }
0x9b: {  	s6 =	simm.s32 $_scs_section_size  }
0x9c: {  	s7 =	simm.s32 $_size__tile_overlayer_lowered;
	s8 =	simm.s32 $_tile_overlayer_lowered  }
0x9d: {  	s22 =	simm.s32 $0x1BFF;
	s21 =	sshll.u32 s8, $0x1;
	s5 =	sadd.s32 s6, s19  }
0x9e: {  	s9 =	simm.s32 $0x0;
	s20 =	sshll.u32 s7, $0x1;
	s7 =	sadd.s32 s21, s5  }
0x9f: {  	[timem:s9], [sflag:s22] =	dma.local [hbm:s7], s20  }
0xa0: {  	_ =	swait.ge [sflag:s22], s20  }
0xa1: {  	s6 =	ssub.s32 $0x0, s20;
	[sflag:s22] =	ssyncset.done $0x0  }
0xa2: {  	[sflag:s22] =	ssyncadd.s32 s6;
	_ =	sdelay $0x1  }
0xa3: {  	s23 =	simm.s32 $0x1B8B  }
0xa4: {  	_ =	swait.ge [sflag:s23], $0x1  }
0xa5: {  	[sflag:s23] =	ssyncset.done $0x0  }
0xa6: {  	s25 =	simm.s32 $0x1B8E;
	s24 =	sld [smem:$0x3FFE];
	[sflag:s23] =	ssyncadd.s32 $0xFFFFFFFF  }
0xa7: {  	s26 =	simm.s32 $execute0_lowered;
	[smem:$0x3FD2] =	sst s25  }
0xa8: {  	s7 =	sshll.u32 s26, $0x1;
	_ =	strace $0x80000046;
	[dreg:$0x1] =	wrdreg $0xFFFFFFFF  }
0xa9: {  	s28 =	simm.s32 $_size_execute0_lowered;
	s5 =	sadd.s32 s5, s7;
	[dreg:$0x0] =	wrdreg $0x0  }
0xaa: {  	s7 =	sshll.u32 s28, $0x1;
	[dreg:$0x2] =	wrdreg s5  }
0xab: {  	[dreg:$0x3] =	wrdreg s7  }
0xac: {  	[dreg:$0x4] =	wrdreg $0xC0  }
0xad: {  	_ =	task [dreg:s9], $0x5FFFF  }
0xae: {  	[dreg:$0x1] =	wrdreg $0xFFFFFFFF  }
0xaf: {  	[dreg:$0x0] =	wrdreg $0x60  }
0xb0: {  	[dreg:$0x2] =	wrdreg s18  }
0xb1: {  	[dreg:$0x3] =	wrdreg s24  }
0xb2: {  	[dreg:$0x4] =	wrdreg s2  }
0xb3: {  	[dreg:$0x5] =	wrdreg s4  }
0xb4: {  	[dreg:$0x6] =	wrdreg $0x9  }
0xb5: {  	_ =	task.clear_ibuf [dreg:s9], $0x7FFFF;
	_ =	strace $0x90000046  }
0xb6: {  	s29 =	simm.s32 $0x9;
	_ =	strace $0x80000048  }
0xb7: {  	_ =	swait.ge [sflag:s29], $0x1  }
0xb8: {  	[sflag:s29] =	ssyncadd.s32 $0xFFFFFFFF  }
0xb9: {  	_ =	strace $0x90000048  }
0xba: {  	_ =	sfence  }
0xbb: {  	s30 =	sld [smem:$0x0];
	_ =	sdelay $0x2  }
0xbc: {  	s31 =	sshll.u32 s1, $0xD;
	s1 =	sshrl.u32 s1, $0x2  }
0xbd: {  	s3 =	sand.u32 $0x4000, s31;
	s1 =	sadd.s32 s1, s30  }
0xbe: {  	s0 =	sor.u32 s3, s0;
	s1 =	sshll.u32 s1, $0x11  }
0xbf: {  	s0 =	sor.u32 s1, s0  }
0xc0: {  	s0 =	sadd.s32 $0x8F2B, s0  }
0xc1: {  	[sflag:s0] =	ssyncadd.remote.s32 $0x1  }
0xc2: {  	_ =	sfence.sel $0xFFFF  }
0xc3: {  	[dreg:$0x0] =	wrdreg $0xFFFFFFFF;
	(pc) =	sbr.abs _section_cstart, $3  }
0xc4: {  	[dreg:$0x1] =	wrdreg $0xFFFFFFFF  }
0xc5: {  	_ =	task.clear_ibuf [dreg:s9], $0x2FFFF;
	_ =	strace $0x9FFFFFFF  }
0xc6: {  	(tm) =	ssettm $0x7FFFFFFF  }
0xc7: {  	_ =	shalt  }
tec
execute0_lowered:
.L_overlay_start_1:
0x0: {  	(tag) =	ssettag $0x1  }
0x1: {  	v0 =	vimm.s32 $0x1380  }
0x2: {  	vm14 =	vcmask $0x300;
	vm13 =	vcmask $0x704;
	vm12 =	vcmask $0xB08  }
0x3: {  	vm11 =	vcmask $0xF0C;
	vm8 =	vcmask $0x1310;
	vm9 =	vcmask $0x1714  }
0x4: {  	vm10 =	vcmask $0x1B18;
	vm7 =	vcmask $0x1F1C;
	vm6 =	vcmask $0x2320  }
0x5: {  	vm5 =	vcmask $0x2724;
	vm4 =	vcmask $0x2B28;
	vm3 =	vcmask $0x2F2C  }
0x6: {  	vm2 =	vcmask $0x3330;
	vm1 =	vcmask $0x3734;
	vm0 =	vcmask $0x3B38  }
0x7: {  	v5 =	vimm.s32 $0xFFFFFFFF;
	v7 =	vimm.s32 $0x3380;
	v8 =	vimm.s32 $0x5380  }
0x8: {  	v9 =	vimm.s32 $0x7380;
	v0 =	vsel vm14, $0x0, v0;
	v7 =	vsel vm14, $0x2000, v7  }
0x9: {  	v8 =	vsel vm14, $0x4000, v8;
	v9 =	vsel vm14, $0x6000, v9;
	v0 =	vsel vm13, $0x80, v0  }
0xa: {  	v7 =	vsel vm13, $0x2080, v7;
	v8 =	vsel vm13, $0x4080, v8;
	v9 =	vsel vm13, $0x6080, v9  }
0xb: {  	v0 =	vsel vm12, $0x100, v0;
	v7 =	vsel vm12, $0x2100, v7;
	v8 =	vsel vm12, $0x4100, v8  }
0xc: {  	v9 =	vsel vm12, $0x6100, v9;
	v0 =	vsel vm11, $0x180, v0;
	v7 =	vsel vm11, $0x2180, v7  }
0xd: {  	v8 =	vsel vm11, $0x4180, v8;
	v9 =	vsel vm11, $0x6180, v9;
	v0 =	vsel vm8, $0x200, v0  }
0xe: {  	v7 =	vsel vm8, $0x2200, v7;
	v8 =	vsel vm8, $0x4200, v8;
	v9 =	vsel vm8, $0x6200, v9  }
0xf: {  	s1 =	srdreg.scid;
	s0 =	stileid.u32;
	v0 =	vsel vm9, $0x280, v0;
	v7 =	vsel vm9, $0x2280, v7;
	v8 =	vsel vm9, $0x4280, v8  }
0x10: {  	s7 =	sand.u32 $0x1, s1;
	s31 =	sshll.u32 s0, $0x1;
	v9 =	vsel vm9, $0x6280, v9;
	v0 =	vsel vm10, $0x300, v0;
	v7 =	vsel vm10, $0x2300, v7  }
0x11: {  	s18 =	sor.u32 s7, s31;
	v8 =	vsel vm10, $0x4300, v8;
	v9 =	vsel vm10, $0x6300, v9;
	v0 =	vsel vm7, $0x380, v0  }
0x12: {  	s9 =	rddreg [dreg:$0x1];
	s1 =	smul.u32 $0x3E, s18;
	v7 =	vsel vm7, $0x2380, v7;
	v8 =	vsel vm7, $0x4380, v8;
	v9 =	vsel vm7, $0x6380, v9  }
0x13: {  	s3 =	rddreg [dreg:$0x2];
	v0 =	vsel vm6, $0x1000, v0;
	v7 =	vsel vm6, $0x3000, v7;
	v8 =	vsel vm6, $0x5000, v8  }
0x14: {  	s5 =	rddreg [dreg:$0x3];
	s2 =	smin.u32 s1, $0x763;
	v9 =	vsel vm6, $0x7000, v9;
	v1 =	vsel vm5, $0x1080, v0;
	v0 =	vmov s1  }
0x15: {  	s4 =	rddreg [dreg:$0x4];
	s6 =	simm.s32 $0x0;
	s8 =	sadd.s32 $0x3E, s2;
	v7 =	vsel vm5, $0x3080, v7;
	v8 =	vsel vm5, $0x5080, v8;
	v9 =	vsel vm5, $0x7080, v9  }
0x16: {  	s13 =	simm.s32 $0x8080;
	s14 =	simm.s32 $0x1000;
	s15 =	simm.s32 $0x7A1400;
	v2 =	vsel vm4, $0x1100, v1;
	v1 =	vmov s8;
	v7 =	vsel vm4, $0x3100, v7  }
0x17: {  	s16 =	simm.s32 $0xC080;
	s17 =	simm.s32 $0x3;
	s19 =	simm.s32 $0x4;
	v8 =	vsel vm4, $0x5100, v8;
	v9 =	vsel vm4, $0x7100, v9;
	v3 =	vsel vm3, $0x1180, v2  }
0x18: {  	s20 =	simm.s32 $0x0;
	[smem:$0x7FF] =	sst s6;
	s10 =	ssub.s32 $0x2, s7;
	v2 =	vlaneseq.u32;
	v7 =	vsel vm3, $0x3180, v7;
	v8 =	vsel vm3, $0x5180, v8  }
.Ltmp0:
0x19: {  	s7 =	sadd.s32 $0x1200, s9;
	s11 =	sshrl.u32 s10, $0x1;
	v9 =	vsel vm3, $0x7180, v9;
	v4 =	vsel vm2, $0x1200, v3;
	v3 =	vmul.u32 $0x200, v2;
	(pc) =	sbr.rel .LBB2_1-.Ltmp0, $4  }
0x1a: {  	s12 =	smul.u32 $0x7C00, s18;
	p1 =	sne.s32 s18, $0x0;
	s10 =	ssub.s32 s10, s11;
	v7 =	vsel vm2, $0x3200, v7;
	v8 =	vsel vm2, $0x5200, v8;
	v9 =	vsel vm2, $0x7200, v9  }
0x1b: {  	s18 =	simm.s32 $0x1C080;
	s11 =	simm.s32 $0x5;
	s10 =	smax.u32 s10, $0x1;
	v6 =	vsel vm1, $0x1280, v4;
	v4 =	vimm.s32 $0x0;
	v7 =	vsel vm1, $0x3280, v7  }
0x1c: {  	s2 =	rddreg [dreg:$0x0];
	_ =	strace $0x80000047;
	s8 =	ssub.s32 s8, s1;
	v8 =	vsel vm1, $0x5280, v8;
	v9 =	vsel vm1, $0x7280, v9;
	v6 =	vsel vm0, $0x1300, v6  }
0x1d: {  	s9 =	sadd.s32 s2, s12;
	s12 =	simm.s32 $0x4000;
	p0 =	sgt.s32 s8, $0x0;
	v7 =	vsel vm0, $0x3300, v7;
	v8 =	vsel vm0, $0x5300, v8;
	v9 =	vsel vm0, $0x7300, v9  }
.LBB2_32:
0x1e: {  	s20 =	sadd.s32 $0x1, s20  }
0x1f: {  	p2 =	sne.s32 s20, s10  }
.Ltmp1:
0x20: {  	_ = 	snop;
	(pc) =	sbr.rel @!p2 .LBB2_33-.Ltmp1, $1  }
0x21: {  	_ =	sdelay $0x3  }
.LBB2_1:
0x22: {  	[tilespmem:s6], [sflag:$0x5] =	stream.linear.gather [hbm4b:s3+s6], $0x4000, $0x38;
	[tilespmem:$0x1C880] =	vst v63  }
0x23: {  	_ =	swait.ge [sflag:s11], $0x4000  }
0x24: {  	[sflag:s11] =	ssyncset.done $0x0  }
0x25: {  	[sflag:s11] =	ssyncadd.s32 $0xFFFFC000  }
0x26: {  	v10 =	vld [tilespmem:s6+$0x0];
	_ =	sdelay $0x4  }
0x27: {  	v11 =	vshra.s32 v10, $0x9  }
0x28: {  	vm1 =	vlt.s32 v10, $0xF4200;
	vm0 =	vlt.s32 v11, v1  }
0x29: {  	vm2 =	vge.s32 v11, v0;
	vm0 =	vmand vm0, vm1  }
0x2a: {  	vm0 =	vmand vm0, vm2  }
0x2b: {  	v12 =	vsel vm0, $0x1, v4  }
0x2c: {  	(xrf0) =	vadd.scan.msk.s32 $0xffff, v12;
	_ =	sdelay $0x2  }
0x2d: {  	v63 =	vmov s6  }
0x2e: {  	v12 =	vadd.s32 $0xFFFFFFFF, v63  }
0x2f: {  	v12 =	vbroadcast v12, $0x0  }
0x30: {  	v13, _, _ =	vpop (xrf0)  }
0x31: {  	v12 =	vadd.s32 v13, v12;
	(v2sf) =	vpush v13, $0xF;
	_ =	sdelay $0x1  }
0x32: {  	v14 =	vmov s6  }
0x33: {  	v14 =	vshll.u32 v14, $0x9  }
0x34: {  	v14 =	vor.u32 v3, v14;
	v10 =	vand.u32 $0x1FF, v10  }
0x35: {  	v10 =	vor.u32 v14, v10;
	[tilespmem:v12+s12+$0x0] =	vst.idx.msk vm0, v11  }
0x36: {  	s21 =	simm.s32 $0x10;
	[tilespmem:v12+s13+$0x0] =	vst.idx.msk vm0, v10  }
0x37: {  	s23 =	simm.s32 $0x20;
	s22 =	simm.s32 $0x0;
	s24 =	simm.s32 $0x10;
	v10 =	vld [tilespmem:s21+$0x0]  }
.LBB2_2:
0x38: {  	p2 =	sne.s32 s23, $0x3FF0;
	_ =	sdelay $0x3  }
0x39: {  	v11 =	vshra.s32 v10, $0x9;
	v12 =	vand.u32 $0x1FF, v10  }
0x3a: {  	vm1 =	vlt.s32 v10, $0xF4200;
	vm0 =	vlt.s32 v11, v1  }
0x3b: {  	vm2 =	vge.s32 v11, v0;
	vm0 =	vmand vm0, vm1  }
0x3c: {  	vm0 =	vmand vm0, vm2;
	s25 =	spop (v2sf)  }
0x3d: {  	v10 =	vsel vm0, $0x1, v4;
	s22 =	sadd.s32 s22, s25  }
0x3e: {  	v13 =	vmov s22;
	(xrf0) =	vadd.scan.msk.s32 $0xffff, v10  }
0x3f: {  	v10 =	vadd.s32 $0xFFFFFFFF, v13  }
0x40: {  	v10 =	vbroadcast v10, $0x0;
	_ =	sdelay $0x3  }
0x41: {  	v13, _, _ =	vpop (xrf0)  }
0x42: {  	v10 =	vadd.s32 v13, v10;
	(v2sf) =	vpush v13, $0xF;
	_ =	sdelay $0x1  }
0x43: {  	v13 =	vmov s21;
	s21 =	smov.u32 s23  }
.Ltmp2:
0x44: {  	v13 =	vshll.u32 v13, $0x9;
	(pc) =	sbr.rel @p2 .LBB2_2-.Ltmp2, $4  }
0x45: {  	v13 =	vor.u32 v3, v13  }
0x46: {  	v12 =	vor.u32 v13, v12;
	[tilespmem:v10+s12+$0x0] =	vst.idx.msk vm0, v11  }
0x47: {  	s24 =	sadd.s32 $0x10, s24;
	[tilespmem:v10+s13+$0x0] =	vst.idx.msk vm0, v12  }
0x48: {  	s23 =	sadd.s32 $0x10, s23;
	v10 =	vld [tilespmem:s24+$0x0]  }
0x49: {  	_ =	sdelay $0x3  }
0x4a: {  	v11 =	vshra.s32 v10, $0x9  }
0x4b: {  	vm1 =	vlt.s32 v10, $0xF4200;
	vm0 =	vlt.s32 v11, v1  }
0x4c: {  	vm2 =	vge.s32 v11, v0;
	vm0 =	vmand vm0, vm1  }
0x4d: {  	vm0 =	vmand vm0, vm2  }
0x4e: {  	v12 =	vsel vm0, $0x1, v4  }
0x4f: {  	(xrf0) =	vadd.scan.msk.s32 $0xffff, v12;
	_ =	sdelay $0x5  }
0x50: {  	v12, _, _ =	vpop (xrf0)  }
0x51: {  	(v2sf) =	vpush v12, $0xF;
	_ =	sdelay $0x8  }
0x52: {  	s23 =	spop (v2sf)  }
0x53: {  	s22 =	sadd.s32 s22, s23  }
0x54: {  	v13 =	vmov s22  }
0x55: {  	v13 =	vadd.s32 $0xFFFFFFFF, v13  }
0x56: {  	v13 =	vbroadcast v13, $0x0;
	_ =	sdelay $0x1  }
0x57: {  	v12 =	vadd.s32 v12, v13;
	s31 =	spop (v2sf)  }
0x58: {  	s22 =	sadd.s32 s22, s31  }
0x59: {  	v63 =	vmov s21;
	v14 =	vadd.s32 s22, v2  }
0x5a: {  	v13 =	vshll.u32 v63, $0x9  }
.Ltmp3:
0x5b: {  	v10 =	vand.u32 $0x1FF, v10;
	v13 =	vor.u32 v3, v13;
	(pc) =	sbr.rel @!p0 .LBB2_19-.Ltmp3, $4  }
0x5c: {  	v10 =	vor.u32 v13, v10;
	[tilespmem:v12+s12+$0x0] =	vst.idx.msk vm0, v11  }
0x5d: {  	[tilespmem:v12+s13+$0x0] =	vst.idx.msk vm0, v10  }
0x5e: {  	[tilespmem:v14+s12+$0x0] =	vst.idx.msk $0xffff, v5  }
0x5f: {  	[tilespmem:s16], [sflag:$0x1] =	stream.strided.gather [hbm4b:s9+s14], $0x8000, s15, s14, $0x38;
	[tilespmem:$0x1C880] =	vst v63  }
.Ltmp4:
0x60: {  	(pc) =	sbr.rel .LBB2_6-.Ltmp4, $3  }
0x61: {  	_ =	sdelay $0x1  }
0x62: {  	s21 =	sadd.s32 $0xF, s22  }
0x63: {  	s23 =	simm.s32 $0x0;
	s22 =	sshra.s32 s21, $0x4;
	s21 =	simm.s32 $0x0  }
.LBB2_5:
.Ltmp5:
0x64: {  	(pc) =	sbr.rel @p2 .LBB2_15-.Ltmp5, $1  }
0x65: {  	_ =	sdelay $0x3  }
.LBB2_6:
0x66: {  	s24 =	smov.u32 s23;
	s23 =	sadd.s32 $0x1, s23  }
0x67: {  	p2 =	sge.s32 s23, s8  }
0x68: {  	p3 =	slt.s32 s22, $0x1;
	s28 =	sadd.s32 @!p2 s1, s23  }
0x69: {  	s26 =	sand.u32 @!p2 $0x1, s23;
	s31 =	simm.s32 @!p2 $0x7A1400;
	s28 =	sshll.u32 @!p2 s28, $0x9  }
0x6a: {  	s30 =	simm.s32 @!p2 $0x1000;
	s29 =	sshll.u32 @!p2 s26, $0xF;
	s28 =	sand.u32 @!p2 $0x1FFFFE00, s28  }
0x6b: {  	s26 =	sadd.s32 @!p2 $0x1, s26;
	s29 =	sadd.s32 @!p2 $0xC080, s29;
	s28 =	sadd.s32 @!p2 s2, s28  }
0x6c: {  	[tilespmem:s29], [sflag:s26] =	stream.strided.gather @!p2 [hbm4b:s28+s30], $0x8000, s31, s30, $0x38;
	[tilespmem:$0x1C880] =	vst v63  }
.Ltmp6:
0x6d: {  	s25 =	sand.u32 $0x1, s24;
	(pc) =	sbr.rel @p3 .LBB2_5-.Ltmp6, $4  }
0x6e: {  	s31 =	sadd.s32 $0x1, s25  }
0x6f: {  	_ =	swait.ge [sflag:s31], $0x8000  }
0x70: {  	[sflag:s31] =	ssyncset.done $0x0  }
0x71: {  	[sflag:s31] =	ssyncadd.s32 $0xFFFF8000  }
.Ltmp7:
0x72: {  	(pc) =	sbr.rel .LBB2_8-.Ltmp7, $4  }
0x73: {  	_ = 	snop  }
0x74: {  	s24 =	sadd.s32 s1, s24;
	s25 =	sshll.u32 s25, $0xF  }
0x75: {  	v10 =	vmov s24;
	v11 =	vor.u32 s25, v6  }
0x76: {  	v12 =	vor.u32 s25, v7;
	v13 =	vor.u32 s25, v8;
	v14 =	vor.u32 s25, v9;
	s24 =	simm.s32 $0x0  }
.LBB2_10:
0x77: {  	_ = 	snop  }
.LBB2_13:
0x78: {  	_ =	sdelay $0x2  }
0x79: {  	[hbm4b:s28+s6] =	stream.linear.scatter @p3 [tilespmem:s26], [sflag:$0x3], $0x80, $0x38;
	[tilespmem:$0x1C880] =	vst v63  }
0x7a: {  	v15 =	vld.idx.msk [tilespmem:v16+s13+$0x0], $0xffff;
	_ =	sdelay $0x4  }
0x7b: {  	v16 =	vand.u32 $0x7F, v15;
	v17 =	vshll.u32 v15, $0x3  }
0x7c: {  	v17 =	vand.u32 $0xC00, v17;
	v18 =	vor.u32 v11, v16  }
0x7d: {  	p3 =	slt.s32 s21, $0x10;
	v18 =	vor.u32 v17, v18  }
0x7e: {  	s25 =	simm.s32 @!p3 $0x3;
	(v2sf) =	vpush v15, $0x0  }
0x7f: {  	_ =	swait.ge @!p3 [sflag:s25], $0x80  }
0x80: {  	s31 =	sshra.s32 s21, $0x1F;
	[sflag:s25] =	ssyncset.done @!p3 $0x0  }
0x81: {  	s28 =	sshrl.u32 s31, $0x1C;
	[sflag:s25] =	ssyncadd.s32 @!p3 $0xFFFFFF80  }
0x82: {  	v15 =	vor.u32 v12, v16;
	s25 =	sadd.s32 s28, s21;
	v18 =	vld.idx.msk [tilespmem:v18+s16+$0x0], $0xffff  }
0x83: {  	v15 =	vor.u32 v17, v15;
	s25 =	sand.u32 $0x7FFFF0, s25  }
0x84: {  	s25 =	ssub.s32 s21, s25  }
0x85: {  	s25 =	sshll.u32 s25, $0x9  }
0x86: {  	s25 =	sshra.s32 s25, $0x2  }
0x87: {  	[tilespmem:s25+$0x1C080] =	vst v18  }
0x88: {  	v62 =	vor.u32 v13, v16;
	v15 =	vld.idx.msk [tilespmem:v15+s16+$0x0], $0xffff  }
0x89: {  	v18 =	vor.u32 v17, v62;
	_ =	sdelay $0x3  }
0x8a: {  	[tilespmem:s25+$0x1C090] =	vst v15  }
0x8b: {  	v15 =	vor.u32 v14, v16;
	v63 =	vld.idx.msk [tilespmem:v18+s16+$0x0], $0xffff  }
0x8c: {  	v15 =	vor.u32 v17, v15;
	_ =	sdelay $0x3  }
0x8d: {  	[tilespmem:s25+$0x1C0A0] =	vst v63  }
0x8e: {  	v15 =	vld.idx.msk [tilespmem:v15+s16+$0x0], $0xffff;
	_ =	sdelay $0x1  }
0x8f: {  	s29 =	spop (v2sf)  }
0x90: {  	s26 =	sshra.s32 s29, $0x5  }
0x91: {  	s26 =	sand.u32 $0x1FFFFFF0, s26  }
0x92: {  	s21 =	sadd.s32 $0x1, s21;
	s30 =	sadd.s32 $0x1C080, s25;
	s31 =	sadd.s32 s5, s26;
	[tilespmem:s25+$0x1C0B0] =	vst v15  }
0x93: {  	[hbm4b:s31+s6] =	stream.linear.scatter [tilespmem:s30], [sflag:$0x3], $0x80, $0x38;
	[tilespmem:$0x1C880] =	vst v63  }
.LBB2_14:
0x94: {  	s24 =	sadd.s32 $0x1, s24  }
0x95: {  	p3 =	seq.s32 s24, s22  }
.Ltmp8:
0x96: {  	_ = 	snop;
	(pc) =	sbr.rel @p3 .LBB2_5-.Ltmp8, $1  }
0x97: {  	_ =	sdelay $0x3  }
.LBB2_8:
0x98: {  	s25 =	sshll.u32 s24, $0x4  }
0x99: {  	v15 =	vld [tilespmem:s25+$0x4000];
	_ =	sdelay $0x4  }
0x9a: {  	vm0 =	veq.s32 v15, v10  }
0x9b: {  	v15 =	vmpcnt.ones.xlane vm0;
	_ =	sdelay $0x1  }
0x9c: {  	(v2sf) =	vpush v15, $0x0;
	_ =	sdelay $0xe  }
0x9d: {  	s26 =	spop (v2sf)  }
0x9e: {  	p3 =	slt.s32 s26, $0x1  }
.Ltmp9:
0x9f: {  	_ = 	snop;
	(pc) =	sbr.rel @p3 .LBB2_14-.Ltmp9, $1  }
0xa0: {  	_ =	sdelay $0x3  }
0xa1: {  	s26 =	sadd.s32 $0x1, s26  }
0xa2: {  	v15 =	vmov s25;
	s25 =	sadd.s32 $0xFFFFFFFF, s26  }
0xa3: {  	v16 =	vmctz.xlane vm0;
	p4 =	sgt.s32 s25, $0x1  }
.Ltmp10:
0xa4: {  	_ = 	snop;
	(pc) =	sbr.rel @!p4 .LBB2_10-.Ltmp10, $4  }
0xa5: {  	v17 =	vbroadcast v16, $0x0  }
0xa6: {  	v16 =	vadd.s32 v15, v16  }
0xa7: {  	v16 =	vbroadcast v16, $0x0;
	vm1 =	vne.s32 v17, v2  }
0xa8: {  	p3 =	por $0x0, $0x0;
	vm0 =	vmand vm0, vm1  }
0xa9: {  	_ =	sdelay $0x3  }
0xaa: {  	v16 =	vld.idx.msk [tilespmem:v16+s13+$0x0], $0xffff;
	_ =	sdelay $0x4  }
0xab: {  	v17 =	vand.u32 $0x7F, v16;
	v18 =	vshll.u32 v16, $0x3  }
0xac: {  	v18 =	vand.u32 $0xC00, v18;
	v19 =	vor.u32 v11, v17  }
0xad: {  	p3 =	slt.s32 s21, $0x10;
	v19 =	vor.u32 v18, v19  }
0xae: {  	s26 =	simm.s32 @!p3 $0x3;
	(v2sf) =	vpush v16, $0x0  }
0xaf: {  	_ =	swait.ge @!p3 [sflag:s26], $0x80  }
0xb0: {  	s28 =	sshra.s32 s21, $0x1F;
	[sflag:s26] =	ssyncset.done @!p3 $0x0  }
0xb1: {  	s30 =	sshrl.u32 s28, $0x1C;
	[sflag:s26] =	ssyncadd.s32 @!p3 $0xFFFFFF80  }
0xb2: {  	v16 =	vor.u32 v12, v17;
	s26 =	sadd.s32 s30, s21;
	v19 =	vld.idx.msk [tilespmem:v19+s16+$0x0], $0xffff  }
0xb3: {  	v16 =	vor.u32 v18, v16;
	s26 =	sand.u32 $0x7FFFF0, s26  }
0xb4: {  	s26 =	ssub.s32 s21, s26  }
0xb5: {  	s26 =	sshll.u32 s26, $0x9  }
0xb6: {  	s28 =	sshra.s32 s26, $0x2  }
0xb7: {  	[tilespmem:s28+$0x1C080] =	vst v19  }
0xb8: {  	v19 =	vor.u32 v13, v17;
	v16 =	vld.idx.msk [tilespmem:v16+s16+$0x0], $0xffff  }
0xb9: {  	v19 =	vor.u32 v18, v19;
	_ =	sdelay $0x3  }
0xba: {  	[tilespmem:s28+$0x1C090] =	vst v16  }
0xbb: {  	v16 =	vor.u32 v14, v17;
	v17 =	vld.idx.msk [tilespmem:v19+s16+$0x0], $0xffff;
	_ =	sdelay $0x1  }
0xbc: {  	v16 =	vor.u32 v18, v16;
	_ =	sdelay $0x2  }
0xbd: {  	[tilespmem:s28+$0x1C0A0] =	vst v17;
	v17 =	vmctz.xlane vm0;
	_ =	sdelay $0x1  }
0xbe: {  	s25 =	sadd.s32 $0xFFFFFFFF, s25;
	v18 =	vld.idx.msk [tilespmem:v16+s16+$0x0], $0xffff;
	v16 =	vbroadcast v17, $0x0  }
0xbf: {  	p4 =	sgt.s32 s25, $0x1;
	v17 =	vadd.s32 v15, v17  }
.Ltmp11:
0xc0: {  	vm1 =	vne.s32 v16, v2;
	v16 =	vbroadcast v17, $0x0;
	(pc) =	sbr.rel @!p4 .LBB2_13-.Ltmp11, $4  }
0xc1: {  	s31 =	spop (v2sf)  }
0xc2: {  	s26 =	sshra.s32 s31, $0x5  }
0xc3: {  	p3 =	por $0x1, $0x1;
	s29 =	sand.u32 $0x1FFFFFF0, s26  }
0xc4: {  	s21 =	sadd.s32 $0x1, s21;
	s26 =	sadd.s32 $0x1C080, s28;
	vm0 =	vmand vm0, vm1;
	[tilespmem:s28+$0x1C0B0] =	vst v18;
	s28 =	sadd.s32 s5, s29  }
.LBB2_12:
0xc5: {  	[hbm4b:s28+s6] =	stream.linear.scatter [tilespmem:s26], [sflag:$0x3], $0x80, $0x38;
	[tilespmem:$0x1C880] =	vst v63  }
0xc6: {  	s25 =	sadd.s32 $0xFFFFFFFF, s25;
	v16 =	vld.idx.msk [tilespmem:v16+s13+$0x0], $0xffff  }
0xc7: {  	p4 =	sgt.s32 s25, $0x1;
	_ =	sdelay $0x4  }
0xc8: {  	v17 =	vand.u32 $0x7F, v16;
	v18 =	vshll.u32 v16, $0x3;
	(v2sf) =	vpush v16, $0x0  }
0xc9: {  	v16 =	vand.u32 $0xC00, v18;
	v18 =	vor.u32 v11, v17;
	v19 =	vor.u32 v12, v17  }
0xca: {  	p5 =	slt.s32 s21, $0x10;
	v20 =	vor.u32 v13, v17;
	v18 =	vor.u32 v16, v18;
	v19 =	vor.u32 v16, v19  }
0xcb: {  	s26 =	simm.s32 @!p5 $0x3;
	v17 =	vor.u32 v14, v17;
	v20 =	vor.u32 v16, v20  }
0xcc: {  	v16 =	vor.u32 v16, v17;
	_ =	swait.ge @!p5 [sflag:s26], $0x80  }
0xcd: {  	[sflag:s26] =	ssyncset.done @!p5 $0x0  }
0xce: {  	[sflag:s26] =	ssyncadd.s32 @!p5 $0xFFFFFF80;
	s26 =	sshra.s32 s21, $0x1F  }
0xcf: {  	s26 =	sshrl.u32 s26, $0x1C;
	v17 =	vld.idx.msk [tilespmem:v18+s16+$0x0], $0xffff  }
0xd0: {  	s26 =	sadd.s32 s26, s21  }
0xd1: {  	s26 =	sand.u32 $0x7FFFF0, s26  }
0xd2: {  	s26 =	ssub.s32 s21, s26  }
0xd3: {  	s26 =	sshll.u32 s26, $0x9  }
0xd4: {  	s28 =	sshra.s32 s26, $0x2  }
0xd5: {  	[tilespmem:s28+$0x1C080] =	vst v17  }
0xd6: {  	v17 =	vld.idx.msk [tilespmem:v19+s16+$0x0], $0xffff  }
0xd7: {  	s26 =	spop (v2sf)  }
0xd8: {  	s26 =	sshra.s32 s26, $0x5  }
0xd9: {  	s29 =	sand.u32 $0x1FFFFFF0, s26;
	_ =	sdelay $0x2  }
0xda: {  	[tilespmem:s28+$0x1C090] =	vst v17  }
0xdb: {  	v17 =	vld.idx.msk [tilespmem:v20+s16+$0x0], $0xffff;
	_ =	sdelay $0x5  }
0xdc: {  	v18 =	vmctz.xlane vm0;
	[tilespmem:s28+$0x1C0A0] =	vst v17  }
0xdd: {  	v17 =	vld.idx.msk [tilespmem:v16+s16+$0x0], $0xffff  }
0xde: {  	v19 =	vbroadcast v18, $0x0;
	v16 =	vadd.s32 v15, v18  }
.Ltmp12:
0xdf: {  	v16 =	vbroadcast v16, $0x0;
	(pc) =	sbr.rel @p4 .LBB2_12-.Ltmp12, $3  }
0xe0: {  	vm1 =	vne.s32 v19, v2  }
0xe1: {  	vm0 =	vmand vm0, vm1;
	_ =	sdelay $0x1  }
0xe2: {  	s21 =	sadd.s32 $0x1, s21;
	s26 =	sadd.s32 $0x1C080, s28;
	[tilespmem:s28+$0x1C0B0] =	vst v17;
	s28 =	sadd.s32 s5, s29  }
.Ltmp13:
0xe3: {  	_ = 	snop;
	(pc) =	sbr.rel .LBB2_13-.Ltmp13, $1  }
0xe4: {  	_ =	sdelay $0x3  }
.LBB2_15:
0xe5: {  	p2 =	slt.s32 s21, $0x1  }
.Ltmp14:
0xe6: {  	_ = 	snop;
	(pc) =	sbr.rel @p2 .LBB2_19-.Ltmp14, $1  }
0xe7: {  	_ =	sdelay $0x3  }
0xe8: {  	p2 =	slt.s32 s21, $0x10  }
0xe9: {  	s21 =	simm.s32 @!p2 $0x10  }
0xea: {  	p2 =	sne.s32 s21, $0x1  }
.Ltmp15:
0xeb: {  	_ = 	snop;
	(pc) =	sbr.rel @!p2 .LBB2_18-.Ltmp15, $3  }
0xec: {  	_ =	sdelay $0x1  }
0xed: {  	_ =	swait.ge [sflag:s17], $0x80  }
0xee: {  	[sflag:s17] =	ssyncset.done $0x0;
	s21 =	sadd.s32 $0xFFFFFFFF, s21  }
.LBB2_17:
0xef: {  	p2 =	sne.s32 s21, $0x1;
	s21 =	sadd.s32 $0xFFFFFFFF, s21;
	[sflag:s17] =	ssyncadd.s32 $0xFFFFFF80  }
.Ltmp16:
0xf0: {  	(pc) =	sbr.rel @p2 .LBB2_17-.Ltmp16, $3  }
0xf1: {  	_ =	sdelay $0x1  }
0xf2: {  	_ =	swait.ge [sflag:s17], $0x80  }
0xf3: {  	[sflag:s17] =	ssyncset.done $0x0  }
.LBB2_18:
0xf4: {  	[sflag:s17] =	ssyncadd.s32 $0xFFFFFF80  }
.LBB2_19:
.Ltmp17:
0xf5: {  	(pc) =	sbr.rel @p1 .LBB2_32-.Ltmp17, $1  }
0xf6: {  	_ =	sdelay $0x3  }
.Ltmp18:
0xf7: {  	(pc) =	sbr.rel .LBB2_21-.Ltmp18, $2  }
0xf8: {  	_ =	sdelay $0x2  }
0xf9: {  	s21 =	simm.s32 $0x0  }
.LBB2_23:
0xfa: {  	_ = 	snop  }
.LBB2_30:
0xfb: {  	s23 =	spop @p2 (v2sf)  }
0xfc: {  	s25 =	sshll.u32 @p2 s25, $0x7;
	s23 =	sshll.u32 @p2 s23, $0x7  }
0xfd: {  	s24 =	sshll.u32 @p2 s24, $0x7;
	_ =	swait.ge @p3 [sflag:s19], $0x80;
	s23 =	sadd.s32 @p2 $0xF85F2000, s23  }
0xfe: {  	s25 =	sand.u32 @p2 $0xFFFFFC00, s25;
	[sflag:s19] =	ssyncset.done @p3 $0x0;
	s23 =	sshrl.u32 @p2 s23, $0x3  }
0xff: {  	s24 =	sand.u32 @p2 $0x380, s24;
	[sflag:s19] =	ssyncadd.s32 @p3 $0xFFFFFF80;
	s23 =	sadd.s32 @p2 s7, s23  }
0x100: {  	[tilespmem:s18], [sflag:$0x4] =	stream.linear.gather @p2 [hbm4b:s23+s6], $0x80, $0x38;
	[tilespmem:$0x1C880] =	vst v63  }
0x101: {  	s23 =	sor.u32 @p2 s24, s25;
	_ =	swait.ge @p2 [sflag:s19], $0x80  }
0x102: {  	s23 =	sshrl.u32 @p2 s23, $0x3;
	[sflag:s19] =	ssyncset.done @p2 $0x0  }
0x103: {  	s30 =	spop (v2sf);
	s23 =	sadd.s32 @p2 s5, s23;
	[sflag:s19] =	ssyncadd.s32 @p2 $0xFFFFFF80  }
0x104: {  	[hbm4b:s23+s6] =	stream.linear.scatter @p2 [tilespmem:s18], [sflag:$0x4], $0x80, $0x38;
	[tilespmem:$0x1C880] =	vst v63  }
0x105: {  	s31 =	spop (v2sf)  }
0x106: {  	s22 =	sadd.s32 s22, s30;
	s24 =	sshll.u32 s30, $0x7;
	s23 =	sshll.u32 s31, $0x7  }
0x107: {  	s22 =	sshll.u32 s22, $0x7;
	_ =	swait.ge @p2 [sflag:s19], $0x80;
	s23 =	sadd.s32 $0xF85F2000, s23  }
0x108: {  	s24 =	sand.u32 $0x380, s24;
	[sflag:s19] =	ssyncset.done @p2 $0x0;
	s23 =	sshrl.u32 s23, $0x3  }
0x109: {  	s22 =	sand.u32 $0xFFFFFC00, s22;
	[sflag:s19] =	ssyncadd.s32 @p2 $0xFFFFFF80;
	s23 =	sadd.s32 s7, s23  }
0x10a: {  	[tilespmem:s18], [sflag:$0x4] =	stream.linear.gather [hbm4b:s23+s6], $0x80, $0x38;
	[tilespmem:$0x1C880] =	vst v63  }
0x10b: {  	s22 =	sor.u32 s24, s22;
	_ =	swait.ge [sflag:s19], $0x80  }
0x10c: {  	s22 =	sshrl.u32 s22, $0x3;
	[sflag:s19] =	ssyncset.done $0x0  }
0x10d: {  	s22 =	sadd.s32 s5, s22;
	[sflag:s19] =	ssyncadd.s32 $0xFFFFFF80  }
0x10e: {  	[hbm4b:s22+s6] =	stream.linear.scatter [tilespmem:s18], [sflag:$0x4], $0x80, $0x38;
	[tilespmem:$0x1C880] =	vst v63  }
0x10f: {  	_ =	swait.ge [sflag:s19], $0x80  }
0x110: {  	[sflag:s19] =	ssyncset.done $0x0  }
0x111: {  	[sflag:s19] =	ssyncadd.s32 $0xFFFFFF80  }
.LBB2_31:
0x112: {  	s21 =	sadd.s32 $0x1, s21  }
0x113: {  	p2 =	sne.s32 s21, $0x400  }
.Ltmp19:
0x114: {  	_ = 	snop;
	(pc) =	sbr.rel @!p2 .LBB2_32-.Ltmp19, $1  }
0x115: {  	_ =	sdelay $0x3  }
.LBB2_21:
0x116: {  	s22 =	sshll.u32 s21, $0x4  }
0x117: {  	v10 =	vld [tilespmem:s22+$0x0];
	_ =	sdelay $0x4  }
0x118: {  	vm0 =	vgt.s32 v10, $0xF41FF  }
0x119: {  	v11 =	vmpcnt.ones.xlane vm0;
	_ =	sdelay $0x1  }
0x11a: {  	(v2sf) =	vpush v11, $0x0;
	_ =	sdelay $0xe  }
0x11b: {  	s23 =	spop (v2sf)  }
0x11c: {  	p2 =	slt.s32 s23, $0x1  }
.Ltmp20:
0x11d: {  	_ = 	snop;
	(pc) =	sbr.rel @p2 .LBB2_31-.Ltmp20, $1  }
0x11e: {  	_ =	sdelay $0x3  }
0x11f: {  	v11 =	vmctz.xlane vm0;
	_ =	sdelay $0x1  }
0x120: {  	v13 =	vadd.s32 $0x10, v11  }
0x121: {  	v13 =	vperm.xlane v10, v13  }
0x122: {  	(v2sf) =	vpush v11, $0x0  }
0x123: {  	(v2sf) =	vpush v13, $0x0;
	_ =	sdelay $0x6  }
0x124: {  	s23 =	sadd.s32 $0x1, s23  }
0x125: {  	s23 =	sadd.s32 $0xFFFFFFFF, s23  }
0x126: {  	p4 =	sgt.u32 s23, $0x1  }
.Ltmp21:
0x127: {  	_ = 	snop;
	(pc) =	sbr.rel @!p4 .LBB2_23-.Ltmp21, $3  }
0x128: {  	v12 =	vbroadcast v11, $0x0;
	_ =	sdelay $0x1  }
0x129: {  	vm1 =	vne.s32 v12, v2  }
0x12a: {  	p2 =	por $0x0, $0x0;
	p3 =	por $0x0, $0x0;
	vm0 =	vmand vm0, vm1  }
0x12b: {  	v11 =	vmctz.xlane vm0;
	_ =	sdelay $0x1  }
0x12c: {  	v13 =	vadd.s32 $0x10, v11  }
0x12d: {  	v13 =	vperm.xlane v10, v13  }
0x12e: {  	(v2sf) =	vpush v11, $0x0  }
0x12f: {  	s24 =	spop (v2sf);
	(v2sf) =	vpush v13, $0x0;
	_ =	sdelay $0x7  }
0x130: {  	s23 =	sadd.s32 $0xFFFFFFFF, s23  }
0x131: {  	p4 =	sgt.u32 s23, $0x1  }
.Ltmp22:
0x132: {  	_ = 	snop;
	(pc) =	sbr.rel @!p4 .LBB2_25-.Ltmp22, $3  }
0x133: {  	v12 =	vbroadcast v11, $0x0;
	_ =	sdelay $0x1  }
0x134: {  	vm1 =	vne.s32 v12, v2  }
0x135: {  	p2 =	por $0x1, $0x1;
	s25 =	sadd.s32 s22, s24;
	vm0 =	vmand vm0, vm1  }
0x136: {  	v11 =	vmctz.xlane vm0;
	s26 =	spop (v2sf)  }
0x137: {  	s26 =	sshll.u32 s26, $0x7  }
0x138: {  	s25 =	sshll.u32 s25, $0x7;
	v12 =	vadd.s32 $0x10, v11;
	s26 =	sadd.s32 $0xF85F2000, s26  }
0x139: {  	s24 =	sshll.u32 s24, $0x7;
	s23 =	sadd.s32 $0xFFFFFFFF, s23;
	v12 =	vperm.xlane v10, v12;
	s26 =	sshrl.u32 s26, $0x3  }
0x13a: {  	s25 =	sand.u32 $0xFFFFFC00, s25;
	s24 =	sand.u32 $0x380, s24;
	(v2sf) =	vpush v11, $0x0;
	s26 =	sadd.s32 s7, s26  }
0x13b: {  	(v2sf) =	vpush v12, $0x0;
	[tilespmem:s18], [sflag:$0x4] =	stream.linear.gather [hbm4b:s26+s6], $0x80, $0x38;
	[tilespmem:$0x1C880] =	vst v63  }
0x13c: {  	p4 =	sgt.u32 s23, $0x1;
	s24 =	sor.u32 s24, s25;
	_ =	swait.ge [sflag:s19], $0x80  }
.Ltmp23:
0x13d: {  	s24 =	sshrl.u32 s24, $0x3;
	[sflag:s19] =	ssyncset.done $0x0;
	(pc) =	sbr.rel @!p4 .LBB2_27-.Ltmp23, $4  }
0x13e: {  	v11 =	vbroadcast v11, $0x0;
	s24 =	sadd.s32 s5, s24;
	[sflag:s19] =	ssyncadd.s32 $0xFFFFFF80  }
0x13f: {  	[hbm4b:s24+s6] =	stream.linear.scatter [tilespmem:s18], [sflag:$0x4], $0x80, $0x38;
	[tilespmem:$0x1C880] =	vst v63  }
0x140: {  	vm1 =	vne.s32 v11, v2;
	s24 =	spop (v2sf)  }
0x141: {  	p3 =	por $0x1, $0x1;
	vm0 =	vmand vm0, vm1;
	s25 =	sadd.s32 s22, s24  }
.LBB2_28:
0x142: {  	v11 =	vmctz.xlane vm0;
	s25 =	sshll.u32 s25, $0x7;
	s24 =	sshll.u32 s24, $0x7;
	s26 =	spop (v2sf)  }
0x143: {  	s26 =	sshll.u32 s26, $0x7;
	s25 =	sand.u32 $0xFFFFFC00, s25;
	s24 =	sand.u32 $0x380, s24  }
0x144: {  	s23 =	sadd.s32 $0xFFFFFFFF, s23;
	(v2sf) =	vpush v11, $0x0  }
0x145: {  	v12 =	vbroadcast v11, $0x0;
	v13 =	vadd.s32 $0x10, v11;
	s26 =	sadd.s32 $0xF85F2000, s26;
	s24 =	sor.u32 s24, s25;
	_ =	swait.ge [sflag:s19], $0x80  }
0x146: {  	v11 =	vperm.xlane v10, v13;
	s25 =	sshrl.u32 s26, $0x3;
	s26 =	sshrl.u32 s24, $0x3;
	[sflag:s19] =	ssyncset.done $0x0  }
0x147: {  	p4 =	sgt.u32 s23, $0x1;
	vm1 =	vne.s32 v12, v2;
	s24 =	sadd.s32 s7, s25;
	[sflag:s19] =	ssyncadd.s32 $0xFFFFFF80  }
0x148: {  	[tilespmem:s18], [sflag:$0x4] =	stream.linear.gather [hbm4b:s24+s6], $0x80, $0x38;
	[tilespmem:$0x1C880] =	vst v63  }
.Ltmp24:
0x149: {  	vm0 =	vmand vm0, vm1;
	(v2sf) =	vpush v11, $0x0;
	(pc) =	sbr.rel @p4 .LBB2_28-.Ltmp24, $4  }
0x14a: {  	_ =	swait.ge [sflag:s19], $0x80  }
0x14b: {  	s24 =	spop (v2sf);
	[sflag:s19] =	ssyncset.done $0x0  }
0x14c: {  	s26 =	sadd.s32 s5, s26;
	s25 =	sadd.s32 s22, s24;
	[sflag:s19] =	ssyncadd.s32 $0xFFFFFF80  }
0x14d: {  	[hbm4b:s26+s6] =	stream.linear.scatter [tilespmem:s18], [sflag:$0x4], $0x80, $0x38;
	[tilespmem:$0x1C880] =	vst v63  }
.Ltmp25:
0x14e: {  	(pc) =	sbr.rel .LBB2_30-.Ltmp25, $1  }
0x14f: {  	_ =	sdelay $0x3  }
.LBB2_25:
.Ltmp26:
0x150: {  	(pc) =	sbr.rel .LBB2_30-.Ltmp26, $1  }
0x151: {  	_ =	sdelay $0x3  }
.LBB2_27:
.Ltmp27:
0x152: {  	(pc) =	sbr.rel .LBB2_30-.Ltmp27, $1  }
0x153: {  	_ =	sdelay $0x3  }
.LBB2_33:
0x154: {  	_ =	sfence.sel $0x180000  }
0x155: {  	[bflag:$0x0] =	sbarrier.arrive $0xFFFF  }
0x156: {  	p0 =	sne.s32 s0, $0x0;
	_ =	strace $0x90000047  }
0x157: {  	s0 =	sadd.s32 @!p0 $0x100000, s4;
	[bflag:$0x2] =	sbarrier.arrive $0xFFFF  }
0x158: {  	[sflag:s0] =	ssyncadd.tile.s32 @!p0 $0x1;
	_ =	shalt  }
.Lfunc_end2:
_tile_overlayer_lowered:
.L_overlay_start_2:
0x159: {  	(tag) =	ssettag $0x2  }
0x15a: {  	s0 =	rddreg [dreg:$0x0];
	s2 =	stileid.u32  }
0x15b: {  	s1 =	rddreg [dreg:$0x1];
	p0 =	sne.s32 s2, $0x0  }
0x15c: {  	s3 =	rddreg [dreg:$0x2];
	[bflag:$0x3] =	sbarrier.arrive $0xFFFF;
	s2 =	simm.s32 @!p0 $0x1C05  }
0x15d: {  	[timem:s3], [sflag:s2] =	dma.local @!p0 [hbm:s0], s1  }
0x15e: {  	s0 =	simm.s32 @!p0 $0x5  }
0x15f: {  	_ =	swait.ge @!p0 [sflag:s0], s1  }
0x160: {  	s1 =	ssub.s32 @!p0 $0x0, s1;
	[sflag:s0] =	ssyncset.done @!p0 $0x0  }
0x161: {  	[sflag:s0] =	ssyncadd.s32 @!p0 s1  }
0x162: {  	[bflag:$0x3] =	sbarrier.arrive $0xFFFF  }
0x163: {  	_ =	shalt  }

</sc_bundles>
